<compile_context>
chip_gen: v7x
topology: tpu7x:2x2x1
jax: 0.10.2.dev20260603
libtpu: 0.0.44.dev20260713+nightly
codegen_flags: <defaults>
</compile_context>

<pallas_src>
import functools

import jax
import jax.numpy as jnp
from jax import lax
from jax.experimental import pallas as pl
from jax.experimental.pallas import tpu as pltpu
from jax.experimental.pallas import tpu_sc as plsc

B, N = 16, 1024
S, K = 512, 32
DIN = 64
CH1, CH2, CH3 = 64, 64, 128
EPS = 1e-5
NROWS = B * S * K
SB = 128
RB = 4096
NBLK = NROWS // RB
HI_F = 1e30
HI_I = 1 << 30


def _dot_bf16(a, b):
    return lax.dot_general(
        a.astype(jnp.bfloat16), b.astype(jnp.bfloat16),
        (((1,), (1,)), ((), ())), preferred_element_type=jnp.float32)


def _fps_body(xs_ref, ys_ref, zs_ref, far0_ref, ax_ref, ay_ref, az_ref):
    xs = xs_ref[...]
    ys = ys_ref[...]
    zs = zs_ref[...]
    iota_n = lax.broadcasted_iota(jnp.int32, (B, N), 1)
    iota_s = lax.broadcasted_iota(jnp.int32, (B, S), 1)

    def body(i, carry):
        dist, far, ax, ay, az = carry
        eq = iota_n == far
        zf = jnp.float32(0.0)
        cx = jnp.sum(jnp.where(eq, xs, zf), axis=1, keepdims=True)
        cy = jnp.sum(jnp.where(eq, ys, zf), axis=1, keepdims=True)
        cz = jnp.sum(jnp.where(eq, zs, zf), axis=1, keepdims=True)
        ax = jnp.where(iota_s == i, cx, ax)
        ay = jnp.where(iota_s == i, cy, ay)
        az = jnp.where(iota_s == i, cz, az)
        dx = xs - cx
        dy = ys - cy
        dz = zs - cz
        d = dx * dx + dy * dy + dz * dz
        dist = jnp.minimum(dist, d)
        m = jnp.max(dist, axis=1, keepdims=True)
        far = jnp.min(jnp.where(dist == m, iota_n, HI_I), axis=1, keepdims=True)
        return dist, far, ax, ay, az

    dist0 = jnp.full((B, N), 1e10, jnp.float32)
    z = jnp.zeros((B, S), jnp.float32)
    _, _, ax, ay, az = lax.fori_loop(
        0, S, body, (dist0, far0_ref[...], z, z, z))
    ax_ref[...] = ax
    ay_ref[...] = ay
    az_ref[...] = az


def _run_fps(xs, ys, zs, far0):
    out = jax.ShapeDtypeStruct((B, S), jnp.float32)
    return pl.pallas_call(
        _fps_body,
        out_shape=(out, out, out),
    )(xs, ys, zs, far0)


def _topk_body(xs_ref, ys_ref, zs_ref, ncx_ref, ncy_ref, ncz_ref, idx_ref):
    b = pl.program_id(0)
    xs = xs_ref[0]
    ys = ys_ref[0]
    zs = zs_ref[0]
    cx = jnp.reshape(ncx_ref[0], (SB, 1))
    cy = jnp.reshape(ncy_ref[0], (SB, 1))
    cz = jnp.reshape(ncz_ref[0], (SB, 1))
    bf = lambda v: v.astype(jnp.bfloat16).astype(jnp.float32)
    t = bf(cx) * bf(xs)
    t = t + bf(cy) * bf(ys)
    t = t + bf(cz) * bf(zs)
    x2 = xs * xs + ys * ys + zs * zs
    c2 = cx * cx + cy * cy + cz * cz
    d = (-2.0) * t + x2 + c2
    iota_n = lax.broadcasted_iota(jnp.int32, (SB, N), 1)
    iota_k = lax.broadcasted_iota(jnp.int32, (SB, K), 1)

    def ext(j, carry):
        d, acc = carry
        m = jnp.min(d, axis=1, keepdims=True)
        ii = jnp.min(jnp.where(d == m, iota_n, HI_I), axis=1, keepdims=True)
        acc = jnp.where(iota_k == j, ii, acc)
        d = jnp.where(iota_n == ii, HI_F, d)
        return d, acc

    _, acc = lax.fori_loop(
        0, K, ext, (d, jnp.zeros((SB, K), jnp.int32)))
    idx_ref[0] = acc + b * N


def _run_topk(xs, ys, zs, ncx, ncy, ncz):
    return pl.pallas_call(
        _topk_body,
        grid=(B, S // SB),
        in_specs=[
            pl.BlockSpec((1, 1, N), lambda b, sb: (b, 0, 0)),
            pl.BlockSpec((1, 1, N), lambda b, sb: (b, 0, 0)),
            pl.BlockSpec((1, 1, N), lambda b, sb: (b, 0, 0)),
            pl.BlockSpec((1, 1, SB), lambda b, sb: (b, 0, sb)),
            pl.BlockSpec((1, 1, SB), lambda b, sb: (b, 0, sb)),
            pl.BlockSpec((1, 1, SB), lambda b, sb: (b, 0, sb)),
        ],
        out_specs=pl.BlockSpec((1, SB, K), lambda b, sb: (b, sb, 0)),
        out_shape=jax.ShapeDtypeStruct((B, S, K), jnp.int32),
    )(xs.reshape(B, 1, N), ys.reshape(B, 1, N), zs.reshape(B, 1, N),
      ncx.reshape(B, 1, S), ncy.reshape(B, 1, S), ncz.reshape(B, 1, S))


def _gcorr_body(xyz_ref, pts_ref, nxyz_ref, w0x_ref, w0p_ref, b0_ref,
                g_ref, corr_ref):
    xyzb = xyz_ref[0]
    pts = pts_ref[0]
    nx = nxyz_ref[0]
    w0x = w0x_ref[...]
    w0p = w0p_ref[...]
    gp = _dot_bf16(pts, w0p)
    gx = _dot_bf16(xyzb, w0x)
    g_ref[0] = gx + gp + b0_ref[...]
    corr_ref[0] = _dot_bf16(nx, w0x)


def _run_gcorr(xyz, points, new_xyz, w0x, w0p, b0):
    return pl.pallas_call(
        _gcorr_body,
        grid=(B,),
        in_specs=[
            pl.BlockSpec((1, N, 3), lambda b: (b, 0, 0)),
            pl.BlockSpec((1, N, DIN), lambda b: (b, 0, 0)),
            pl.BlockSpec((1, S, 3), lambda b: (b, 0, 0)),
            pl.BlockSpec((CH1, 3), lambda b: (0, 0)),
            pl.BlockSpec((CH1, DIN), lambda b: (0, 0)),
            pl.BlockSpec((1, CH1), lambda b: (0, 0)),
        ],
        out_specs=(
            pl.BlockSpec((1, N, CH1), lambda b: (b, 0, 0)),
            pl.BlockSpec((1, S, CH1), lambda b: (b, 0, 0)),
        ),
        out_shape=(
            jax.ShapeDtypeStruct((B, N, CH1), jnp.float32),
            jax.ShapeDtypeStruct((B, S, CH1), jnp.float32),
        ),
    )(xyz, points, new_xyz, w0x, w0p, b0)


_NWORKERS = 32
_PERW = NROWS // _NWORKERS
_CHUNK = 128
_NCHUNK = _PERW // _CHUNK


def _sc_gather_body(table_hbm, idx_hbm, out_hbm, idx_v, rows_v, sem):
    wid = lax.axis_index("s") * 2 + lax.axis_index("c")
    base = wid * _PERW
    pltpu.sync_copy(idx_hbm.at[pl.ds(base, _PERW)], idx_v)

    def chunk(j, carry):
        off = j * _CHUNK
        pltpu.async_copy(
            table_hbm.at[idx_v.at[pl.ds(off, _CHUNK)]], rows_v, sem).wait()
        pltpu.sync_copy(rows_v, out_hbm.at[pl.ds(base + off, _CHUNK)])
        return carry

    lax.fori_loop(0, _NCHUNK, chunk, 0)


def _sc_gather(table, idx_flat):
    mesh = plsc.VectorSubcoreMesh(core_axis_name="c", subcore_axis_name="s")
    fn = functools.partial(
        pl.kernel,
        mesh=mesh,
        out_type=jax.ShapeDtypeStruct((NROWS, CH1), jnp.float32),
        scratch_types=[
            pltpu.VMEM((_PERW,), jnp.int32),
            pltpu.VMEM((_CHUNK, CH1), jnp.float32),
            pltpu.SemaphoreType.DMA,
        ],
        compiler_params=pltpu.CompilerParams(use_tc_tiling_on_sc=False),
    )(_sc_gather_body)
    return fn(table, idx_flat)


def _stats1_body(y1_ref, corr_ref, st_ref):
    corr = corr_ref[...]
    rep = jnp.reshape(
        jnp.broadcast_to(corr[:, None, :], (RB // K, K, CH1)), (RB, CH1))
    xc = y1_ref[...] - rep
    s = jnp.sum(xc, axis=0, keepdims=True)
    ss = jnp.sum(xc * xc, axis=0, keepdims=True)
    blk = jnp.concatenate([s, ss], axis=0)

    @pl.when(pl.program_id(0) == 0)
    def _():
        st_ref[...] = blk

    @pl.when(pl.program_id(0) > 0)
    def _():
        st_ref[...] = st_ref[...] + blk


def _run_stats1(y1, corr2d):
    return pl.pallas_call(
        _stats1_body,
        grid=(NBLK,),
        in_specs=[
            pl.BlockSpec((RB, CH1), lambda i: (i, 0)),
            pl.BlockSpec((RB // K, CH1), lambda i: (i, 0)),
        ],
        out_specs=pl.BlockSpec((2, CH1), lambda i: (0, 0)),
        out_shape=jax.ShapeDtypeStruct((2, CH1), jnp.float32),
    )(y1, corr2d)


def _bn_coeffs(st, gamma, beta, count):
    mean = st[0:1] / count
    var = st[1:2] / count - mean * mean
    scale = gamma * lax.rsqrt(var + EPS)
    shift = beta - mean * scale
    return scale, shift


def _l2_body(y1_ref, corr_ref, st_ref, g0_ref, bt0_ref, w1_ref,
             y2_ref, st2_ref):
    scale, shift = _bn_coeffs(st_ref[...], g0_ref[...], bt0_ref[...],
                              jnp.float32(NROWS))
    corr = corr_ref[...]
    rep = jnp.reshape(
        jnp.broadcast_to(corr[:, None, :], (RB // K, K, CH1)), (RB, CH1))
    x1 = jnp.maximum((y1_ref[...] - rep) * scale + shift, 0.0)
    y2 = _dot_bf16(x1, w1_ref[...])
    y2_ref[...] = y2
    s = jnp.sum(y2, axis=0, keepdims=True)
    ss = jnp.sum(y2 * y2, axis=0, keepdims=True)
    blk = jnp.concatenate([s, ss], axis=0)

    @pl.when(pl.program_id(0) == 0)
    def _():
        st2_ref[...] = blk

    @pl.when(pl.program_id(0) > 0)
    def _():
        st2_ref[...] = st2_ref[...] + blk


def _run_l2(y1, corr2d, st1, g0, bt0, w1):
    return pl.pallas_call(
        _l2_body,
        grid=(NBLK,),
        in_specs=[
            pl.BlockSpec((RB, CH1), lambda i: (i, 0)),
            pl.BlockSpec((RB // K, CH1), lambda i: (i, 0)),
            pl.BlockSpec((2, CH1), lambda i: (0, 0)),
            pl.BlockSpec((1, CH1), lambda i: (0, 0)),
            pl.BlockSpec((1, CH1), lambda i: (0, 0)),
            pl.BlockSpec((CH2, CH1), lambda i: (0, 0)),
        ],
        out_specs=(
            pl.BlockSpec((RB, CH2), lambda i: (i, 0)),
            pl.BlockSpec((2, CH2), lambda i: (0, 0)),
        ),
        out_shape=(
            jax.ShapeDtypeStruct((NROWS, CH2), jnp.float32),
            jax.ShapeDtypeStruct((2, CH2), jnp.float32),
        ),
    )(y1, corr2d, st1, g0, bt0, w1)


def _l3_body(y2_ref, st_ref, g1_ref, bt1_ref, w2_ref, mx_ref, st3_ref):
    scale, shift = _bn_coeffs(st_ref[...], g1_ref[...], bt1_ref[...],
                              jnp.float32(NROWS))
    x2 = jnp.maximum(y2_ref[...] * scale + shift, 0.0)
    y3 = _dot_bf16(x2, w2_ref[...])
    s = jnp.sum(y3, axis=0, keepdims=True)
    ss = jnp.sum(y3 * y3, axis=0, keepdims=True)
    blk = jnp.concatenate([s, ss], axis=0)
    mx_ref[...] = jnp.max(jnp.reshape(y3, (RB // K, K, CH3)), axis=1)

    @pl.when(pl.program_id(0) == 0)
    def _():
        st3_ref[...] = blk

    @pl.when(pl.program_id(0) > 0)
    def _():
        st3_ref[...] = st3_ref[...] + blk


def _run_l3(y2, st2, g1, bt1, w2):
    return pl.pallas_call(
        _l3_body,
        grid=(NBLK,),
        in_specs=[
            pl.BlockSpec((RB, CH2), lambda i: (i, 0)),
            pl.BlockSpec((2, CH2), lambda i: (0, 0)),
            pl.BlockSpec((1, CH2), lambda i: (0, 0)),
            pl.BlockSpec((1, CH2), lambda i: (0, 0)),
            pl.BlockSpec((CH3, CH2), lambda i: (0, 0)),
        ],
        out_specs=(
            pl.BlockSpec((RB // K, CH3), lambda i: (i, 0)),
            pl.BlockSpec((2, CH3), lambda i: (0, 0)),
        ),
        out_shape=(
            jax.ShapeDtypeStruct((B * S, CH3), jnp.float32),
            jax.ShapeDtypeStruct((2, CH3), jnp.float32),
        ),
    )(y2, st2, g1, bt1, w2)


def _final_body(mx_ref, st_ref, g2_ref, bt2_ref, out_ref):
    scale, shift = _bn_coeffs(st_ref[...], g2_ref[...], bt2_ref[...],
                              jnp.float32(NROWS))
    v = jnp.maximum(mx_ref[...] * scale + shift, 0.0)
    out_ref[0] = jnp.transpose(v)


def _run_final(mx, st3, g2, bt2):
    return pl.pallas_call(
        _final_body,
        grid=(B,),
        in_specs=[
            pl.BlockSpec((S, CH3), lambda b: (b, 0)),
            pl.BlockSpec((2, CH3), lambda b: (0, 0)),
            pl.BlockSpec((1, CH3), lambda b: (0, 0)),
            pl.BlockSpec((1, CH3), lambda b: (0, 0)),
        ],
        out_specs=pl.BlockSpec((1, CH3, S), lambda b: (b, 0, 0)),
        out_shape=jax.ShapeDtypeStruct((B, CH3, S), jnp.float32),
    )(mx, st3, g2, bt2)


def kernel(xyz, points, W0, b0, gamma0, beta0, W1, b1, gamma1, beta1,
           W2, b2, gamma2, beta2):
    xs = xyz[:, :, 0]
    ys = xyz[:, :, 1]
    zs = xyz[:, :, 2]
    far0 = jax.random.randint(
        jax.random.key(1), (B,), 0, N).astype(jnp.int32).reshape(B, 1)
    ncx, ncy, ncz = _run_fps(xs, ys, zs, far0)
    new_xyz = jnp.stack([ncx, ncy, ncz], axis=-1)

    gidx = _run_topk(xs, ys, zs, ncx, ncy, ncz)

    w0x = W0[:, :3]
    w0p = W0[:, 3:]
    g_tab, corr = _run_gcorr(xyz, points, new_xyz, w0x, w0p,
                             b0.reshape(1, CH1))
    g_flat = g_tab.reshape(B * N, CH1)
    corr2d = corr.reshape(B * S, CH1)

    y1 = _sc_gather(g_flat, gidx.reshape(NROWS))

    st1 = _run_stats1(y1, corr2d)
    y2, st2 = _run_l2(y1, corr2d, st1, gamma0.reshape(1, CH1),
                      beta0.reshape(1, CH1), W1)
    mx, st3 = _run_l3(y2, st2, gamma1.reshape(1, CH2),
                      beta1.reshape(1, CH2), W2)
    out_points = _run_final(mx, st3, gamma2.reshape(1, CH3),
                            beta2.reshape(1, CH3))
    return new_xyz, out_points

# --- scband reference (transcript-rebuilt; emitter-appended) ---
"""Pipeline reference for scband-set-abstraction-30657476559327 (READ-ONLY COPY).

The authoritative reference and input builder live on the scoring server;
editing this copy changes nothing except your own understanding.
"""

import jax, jax.numpy as jnp
import numpy as np

B, N, D = 16, 1024, 64
NPOINT, NSAMPLE = 512, 32
MLP = [64, 64, 128]
IN_CH = 3 + D
EPS = 1e-5


def setup_inputs(seed: int = 0) -> dict:
    key = jax.random.key(seed)
    ks = jax.random.split(key, 2 + 3 * len(MLP))
    inp = {}
    inp['xyz'] = jax.random.normal(ks[0], (B, N, 3), dtype=jnp.float32)
    inp['points'] = jax.random.normal(ks[1], (B, N, D), dtype=jnp.float32)
    last = IN_CH
    for i, oc in enumerate(MLP):
        inp[f'W{i}'] = jax.random.normal(ks[2 + 3 * i], (oc, last), dtype=jnp.float32) * 0.05
        inp[f'b{i}'] = jnp.zeros((oc,), dtype=jnp.float32)
        inp[f'gamma{i}'] = jnp.ones((oc,), dtype=jnp.float32)
        inp[f'beta{i}'] = jnp.zeros((oc,), dtype=jnp.float32)
        last = oc
    return inp


def _farthest_point_sample(xyz, npoint):
    Bs, Ns, _ = xyz.shape
    farthest = jax.random.randint(jax.random.key(1), (Bs,), 0, Ns)
    distance = jnp.full((Bs, Ns), 1e10, dtype=xyz.dtype)
    centroids = jnp.zeros((Bs, npoint), dtype=jnp.int32)
    bidx = jnp.arange(Bs)

    def body(i, carry):
        cents, dist_c, far = carry
        cents = cents.at[:, i].set(far.astype(jnp.int32))
        centroid = xyz[bidx, far][:, None, :]
        d = jnp.sum((xyz - centroid) ** 2, -1)
        dist_c = jnp.minimum(dist_c, d)
        far = jnp.argmax(dist_c, axis=-1)
        return cents, dist_c, far

    centroids, _, _ = jax.lax.fori_loop(0, npoint, body, (centroids, distance, farthest))
    return centroids


def _index_points(points, idx):
    # points: [B,N,C], idx: [B,S] or [B,S,K] -> gathered
    return jax.vmap(lambda p, i: p[i])(points, idx)


def _square_distance(src, dst):
    d = -2 * jnp.matmul(src, dst.transpose(0, 2, 1))
    d += jnp.sum(src ** 2, -1)[:, :, None]
    d += jnp.sum(dst ** 2, -1)[:, None, :]
    return d


def reference(xyz, points, W0, b0, gamma0, beta0, W1, b1, gamma1, beta1, W2, b2, gamma2, beta2):
    fps_idx = _farthest_point_sample(xyz, NPOINT)
    new_xyz = _index_points(xyz, fps_idx)  # [B,S,3]
    dists = _square_distance(xyz, new_xyz)  # [B,N,S]
    idx = jnp.argsort(dists, axis=1)[:, :NSAMPLE, :].transpose(0, 2, 1)  # [B,S,K]
    grouped_xyz = _index_points(xyz, idx) - new_xyz[:, :, None, :]  # [B,S,K,3]
    grouped_points = _index_points(points, idx)  # [B,S,K,D]
    new_points = jnp.concatenate([grouped_xyz, grouped_points], axis=-1)  # [B,S,K,C]
    x = new_points.transpose(0, 3, 2, 1)  # [B,C,K,S]
    params = [(W0, b0, gamma0, beta0), (W1, b1, gamma1, beta1), (W2, b2, gamma2, beta2)]
    for Wc, bc, g, bt in params:
        x = jnp.einsum('bckn,oc->bokn', x, Wc) + bc[None, :, None, None]
        mean = jnp.mean(x, axis=(0, 2, 3), keepdims=True)
        var = jnp.var(x, axis=(0, 2, 3), keepdims=True)
        x = (x - mean) / jnp.sqrt(var + EPS)
        x = x * g[None, :, None, None] + bt[None, :, None, None]
        x = jax.nn.relu(x)
    out_points = jnp.max(x, axis=2)  # [B, mlp[-1], S]
    return new_xyz, out_points

if __name__ == "__main__":
    import jax
    _d = setup_inputs()
    print(jax.jit(kernel)(*tuple(_d.values())))

</pallas_src>

<mosaic_0001>
#map = affine_map<(d0, d1) -> (0, 0)>
#map1 = affine_map<(d0, d1) -> (0)>
module attributes {stable_mosaic.version = 14 : i64} {
  func.func @_sc_gather_body(%arg0: i32, %arg1: i32, %arg2: memref<16384x64xf32, #tpu.memory_space<hbm>>, %arg3: memref<262144xi32, #tpu.memory_space<hbm>>, %arg4: memref<262144x64xf32, #tpu.memory_space<hbm>>, %arg5: memref<8192xi32, #tpu.memory_space<vmem>>, %arg6: memref<128x64xf32, #tpu.memory_space<vmem>>, %arg7: memref<!tpu.dma_semaphore, #tpu.memory_space<semaphore_mem>>) attributes {dimension_semantics = [#tpu.dimension_semantics<core_parallel>, #tpu.dimension_semantics<subcore_parallel>], iteration_bounds = array<i64: 2, 16>, scalar_prefetch = 0 : i64, scratch_operands = 3 : i64, tpu.core_type = #tpu.core_type<sc_vector_subcore>, window_params = [{transform_indices = #map}, {transform_indices = #map1}, {transform_indices = #map}]} {
    %mul3A = arith.constant 2 : i32
    %mul3A_0 = arith.muli %arg1, %mul3A : i32
    %add3A = arith.addi %mul3A_0, %arg0 : i32
    %mul3A_1 = arith.constant 8192 : i32
    %mul3A_2 = arith.muli %add3A, %mul3A_1 : i32
    "tpu.region"() ({
      %run_scoped3A = tpu.sem_alloc : memref<!tpu.dma_semaphore, #tpu.memory_space<semaphore_mem>>
      %dma_start3A = tpu.memref_slice %arg3[%mul3A_2] : memref<262144xi32, #tpu.memory_space<hbm>> -> memref<8192xi32, #tpu.memory_space<hbm>>
      %dma_start3A_8 = tpu.memref_slice %arg3[%mul3A_2] : memref<262144xi32, #tpu.memory_space<hbm>> -> memref<8192xi32, #tpu.memory_space<hbm>>
      tpu.enqueue_dma source(%dma_start3A_8 : memref<8192xi32, #tpu.memory_space<hbm>>) target(%arg5 : memref<8192xi32, #tpu.memory_space<vmem>>) target_semaphore(%run_scoped3A : memref<!tpu.dma_semaphore, #tpu.memory_space<semaphore_mem>>)
      %dma_wait3A = tpu.memref_slice %arg3[%mul3A_2] : memref<262144xi32, #tpu.memory_space<hbm>> -> memref<8192xi32, #tpu.memory_space<hbm>>
      %dma_wait3A_9 = tpu.memref_slice %arg3[%mul3A_2] : memref<262144xi32, #tpu.memory_space<hbm>> -> memref<8192xi32, #tpu.memory_space<hbm>>
      tpu.wait_dma2 semaphore(%run_scoped3A : memref<!tpu.dma_semaphore, #tpu.memory_space<semaphore_mem>>) src(%dma_wait3A_9 : memref<8192xi32, #tpu.memory_space<hbm>>) dst(%arg5 : memref<8192xi32, #tpu.memory_space<vmem>>)
      tpu.yield
    }) : () -> ()
    %scan3A = arith.constant 0 : i32
    %scan3A_3 = arith.constant 0 : i32
    %scan3A_4 = arith.constant 64 : i32
    %scan3A_5 = arith.addi %scan3A_3, %scan3A_4 : i32
    %scan3A_6 = arith.constant 1 : i32
    scf.for %scan3A_8 = %scan3A_3 to %scan3A_5 step %scan3A_6  : i32 {
      %mul3A_9 = arith.constant 128 : i32
      %mul3A_10 = arith.muli %scan3A_8, %mul3A_9 : i32
      %dma_start3A = tpu.memref_slice %arg5[%mul3A_10] : memref<8192xi32, #tpu.memory_space<vmem>> -> memref<128xi32, #tpu.memory_space<vmem>>
      %dma_start3A_11 = arith.constant 0 : i32
      %dma_start3A_12 = arith.constant 0 : i32
      %dma_start3A_13 = tpu.memref_slice %arg2[%dma_start3A_11, %dma_start3A_12] : memref<16384x64xf32, #tpu.memory_space<hbm>> -> memref<16384x64xf32, #tpu.memory_space<hbm>>
      tpu.enqueue_indirect_dma source(%dma_start3A_13 : memref<16384x64xf32, #tpu.memory_space<hbm>>) target(%arg6 : memref<128x64xf32, #tpu.memory_space<vmem>>) offsets(%dma_start3A : memref<128xi32, #tpu.memory_space<vmem>>) semaphore(%arg7 : memref<!tpu.dma_semaphore, #tpu.memory_space<semaphore_mem>>)
      %dma_wait3A = tpu.memref_slice %arg5[%mul3A_10] : memref<8192xi32, #tpu.memory_space<vmem>> -> memref<128xi32, #tpu.memory_space<vmem>>
      %dma_wait3A_14 = arith.constant 0 : i32
      %dma_wait3A_15 = arith.constant 0 : i32
      %dma_wait3A_16 = tpu.memref_slice %arg2[%dma_wait3A_14, %dma_wait3A_15] : memref<16384x64xf32, #tpu.memory_space<hbm>> -> memref<16384x64xf32, #tpu.memory_space<hbm>>
      tpu.wait_indirect_dma semaphore(%arg7 : memref<!tpu.dma_semaphore, #tpu.memory_space<semaphore_mem>>) src(%dma_wait3A_16 : memref<16384x64xf32, #tpu.memory_space<hbm>>) dst(%arg6 : memref<128x64xf32, #tpu.memory_space<vmem>>)
      %add3A_17 = arith.addi %mul3A_2, %mul3A_10 : i32
      "tpu.region"() ({
        %run_scoped3A = tpu.sem_alloc : memref<!tpu.dma_semaphore, #tpu.memory_space<semaphore_mem>>
        %dma_start3A_18 = arith.constant 0 : i32
        %dma_start3A_19 = tpu.memref_slice %arg4[%add3A_17, %dma_start3A_18] : memref<262144x64xf32, #tpu.memory_space<hbm>> -> memref<128x64xf32, #tpu.memory_space<hbm>>
        %dma_start3A_20 = arith.constant 0 : i32
        %dma_start3A_21 = tpu.memref_slice %arg4[%add3A_17, %dma_start3A_20] : memref<262144x64xf32, #tpu.memory_space<hbm>> -> memref<128x64xf32, #tpu.memory_space<hbm>>
        tpu.enqueue_dma source(%arg6 : memref<128x64xf32, #tpu.memory_space<vmem>>) target(%dma_start3A_21 : memref<128x64xf32, #tpu.memory_space<hbm>>) target_semaphore(%run_scoped3A : memref<!tpu.dma_semaphore, #tpu.memory_space<semaphore_mem>>)
        %dma_wait3A_22 = arith.constant 0 : i32
        %dma_wait3A_23 = tpu.memref_slice %arg4[%add3A_17, %dma_wait3A_22] : memref<262144x64xf32, #tpu.memory_space<hbm>> -> memref<128x64xf32, #tpu.memory_space<hbm>>
        %dma_wait3A_24 = arith.constant 0 : i32
        %dma_wait3A_25 = tpu.memref_slice %arg4[%add3A_17, %dma_wait3A_24] : memref<262144x64xf32, #tpu.memory_space<hbm>> -> memref<128x64xf32, #tpu.memory_space<hbm>>
        tpu.wait_dma2 semaphore(%run_scoped3A : memref<!tpu.dma_semaphore, #tpu.memory_space<semaphore_mem>>) src(%arg6 : memref<128x64xf32, #tpu.memory_space<vmem>>) dst(%dma_wait3A_25 : memref<128x64xf32, #tpu.memory_space<hbm>>)
        tpu.yield
      }) : () -> ()
    }
    %scan3A_7 = arith.constant 64 : i32
    return
  }
}

module attributes {stable_mosaic.version = 14 : i64} {
  func.func @_fps_body(%arg0: memref<16x1024xf32, #tpu.memory_space<vmem>>, %arg1: memref<16x1024xf32, #tpu.memory_space<vmem>>, %arg2: memref<16x1024xf32, #tpu.memory_space<vmem>>, %arg3: memref<16x1xi32, #tpu.memory_space<vmem>>, %arg4: memref<16x512xf32, #tpu.memory_space<vmem>>, %arg5: memref<16x512xf32, #tpu.memory_space<vmem>>, %arg6: memref<16x512xf32, #tpu.memory_space<vmem>>) attributes {dimension_semantics = [], scalar_prefetch = 0 : i64, scratch_operands = 0 : i64, tpu.core_type = #tpu.core_type<tc>} {
    %get3A = arith.constant 0 : index
    %get3A_0 = arith.constant 0 : index
    %get3A_1 = vector.load %arg0[%get3A, %get3A_0] : memref<16x1024xf32, #tpu.memory_space<vmem>>, vector<16x1024xf32>
    %get3A_2 = arith.constant 0 : index
    %get3A_3 = arith.constant 0 : index
    %get3A_4 = vector.load %arg1[%get3A_2, %get3A_3] : memref<16x1024xf32, #tpu.memory_space<vmem>>, vector<16x1024xf32>
    %get3A_5 = arith.constant 0 : index
    %get3A_6 = arith.constant 0 : index
    %get3A_7 = vector.load %arg2[%get3A_5, %get3A_6] : memref<16x1024xf32, #tpu.memory_space<vmem>>, vector<16x1024xf32>
    %iota3A = tpu.iota {dimensions = array<i32: 1>} : vector<16x1024xi32>
    %iota3A_8 = tpu.iota {dimensions = array<i32: 1>} : vector<16x512xi32>
    %broadcast_in_dim3A = arith.constant 1.000000e+10 : f32
    %broadcast_in_dim3A_9 = vector.broadcast %broadcast_in_dim3A : f32 to vector<16x1024xf32>
    %broadcast_in_dim3A_10 = arith.constant 0.000000e+00 : f32
    %broadcast_in_dim3A_11 = vector.broadcast %broadcast_in_dim3A_10 : f32 to vector<16x512xf32>
    %get3A_12 = arith.constant 0 : index
    %get3A_13 = arith.constant 0 : index
    %get3A_14 = vector.load %arg3[%get3A_12, %get3A_13] : memref<16x1xi32, #tpu.memory_space<vmem>>, vector<16x1xi32>
    %scan3A = arith.constant 0 : i32
    %scan3A_15 = arith.constant 512 : i32
    %scan3A_16 = arith.addi %scan3A, %scan3A_15 : i32
    %scan3A_17 = arith.constant 1 : i32
    %scan3A_18:5 = scf.for %scan3A_28 = %scan3A to %scan3A_16 step %scan3A_17 iter_args(%scan3A_29 = %broadcast_in_dim3A_9, %scan3A_30 = %get3A_14, %scan3A_31 = %broadcast_in_dim3A_11, %scan3A_32 = %broadcast_in_dim3A_11, %scan3A_33 = %broadcast_in_dim3A_11) -> (vector<16x1024xf32>, vector<16x1xi32>, vector<16x512xf32>, vector<16x512xf32>, vector<16x512xf32>)  : i32 {
      %eq3A = vector.broadcast %scan3A_30 : vector<16x1xi32> to vector<16x1024xi32>
      %eq3A_34 = arith.cmpi eq, %iota3A, %eq3A : vector<16x1024xi32>
      %jit3A = arith.constant 0.000000e+00 : f32
      %broadcast_in_dim3A_35 = vector.broadcast %jit3A : f32 to vector<16x1024xf32>
      %select_n3A = arith.select %eq3A_34, %get3A_1, %broadcast_in_dim3A_35 : vector<16x1024xi1>, vector<16x1024xf32>
      %reduce_sum3A = arith.constant dense<0.000000e+00> : vector<16xf32>
      %reduce_sum3A_36 = vector.multi_reduction <add>, %select_n3A, %reduce_sum3A [1] : vector<16x1024xf32> to vector<16xf32>
      %broadcast_in_dim3A_37 = vector.shape_cast %reduce_sum3A_36 : vector<16xf32> to vector<16x1xf32>
      %jit3A_38 = arith.constant 0.000000e+00 : f32
      %broadcast_in_dim3A_39 = vector.broadcast %jit3A_38 : f32 to vector<16x1024xf32>
      %select_n3A_40 = arith.select %eq3A_34, %get3A_4, %broadcast_in_dim3A_39 : vector<16x1024xi1>, vector<16x1024xf32>
      %reduce_sum3A_41 = arith.constant dense<0.000000e+00> : vector<16xf32>
      %reduce_sum3A_42 = vector.multi_reduction <add>, %select_n3A_40, %reduce_sum3A_41 [1] : vector<16x1024xf32> to vector<16xf32>
      %broadcast_in_dim3A_43 = vector.shape_cast %reduce_sum3A_42 : vector<16xf32> to vector<16x1xf32>
      %jit3A_44 = arith.constant 0.000000e+00 : f32
      %broadcast_in_dim3A_45 = vector.broadcast %jit3A_44 : f32 to vector<16x1024xf32>
      %select_n3A_46 = arith.select %eq3A_34, %get3A_7, %broadcast_in_dim3A_45 : vector<16x1024xi1>, vector<16x1024xf32>
      %reduce_sum3A_47 = arith.constant dense<0.000000e+00> : vector<16xf32>
      %reduce_sum3A_48 = vector.multi_reduction <add>, %select_n3A_46, %reduce_sum3A_47 [1] : vector<16x1024xf32> to vector<16xf32>
      %broadcast_in_dim3A_49 = vector.shape_cast %reduce_sum3A_48 : vector<16xf32> to vector<16x1xf32>
      %eq3A_50 = vector.broadcast %scan3A_28 : i32 to vector<16x512xi32>
      %eq3A_51 = arith.cmpi eq, %iota3A_8, %eq3A_50 : vector<16x512xi32>
      %broadcast_in_dim3A_52 = vector.shape_cast %broadcast_in_dim3A_37 : vector<16x1xf32> to vector<16x1xf32>
      %broadcast_in_dim3A_53 = vector.broadcast %broadcast_in_dim3A_52 : vector<16x1xf32> to vector<16x512xf32>
      %select_n3A_54 = arith.select %eq3A_51, %broadcast_in_dim3A_53, %scan3A_31 : vector<16x512xi1>, vector<16x512xf32>
      %eq3A_55 = vector.broadcast %scan3A_28 : i32 to vector<16x512xi32>
      %eq3A_56 = arith.cmpi eq, %iota3A_8, %eq3A_55 : vector<16x512xi32>
      %broadcast_in_dim3A_57 = vector.shape_cast %broadcast_in_dim3A_43 : vector<16x1xf32> to vector<16x1xf32>
      %broadcast_in_dim3A_58 = vector.broadcast %broadcast_in_dim3A_57 : vector<16x1xf32> to vector<16x512xf32>
      %select_n3A_59 = arith.select %eq3A_56, %broadcast_in_dim3A_58, %scan3A_32 : vector<16x512xi1>, vector<16x512xf32>
      %eq3A_60 = vector.broadcast %scan3A_28 : i32 to vector<16x512xi32>
      %eq3A_61 = arith.cmpi eq, %iota3A_8, %eq3A_60 : vector<16x512xi32>
      %broadcast_in_dim3A_62 = vector.shape_cast %broadcast_in_dim3A_49 : vector<16x1xf32> to vector<16x1xf32>
      %broadcast_in_dim3A_63 = vector.broadcast %broadcast_in_dim3A_62 : vector<16x1xf32> to vector<16x512xf32>
      %select_n3A_64 = arith.select %eq3A_61, %broadcast_in_dim3A_63, %scan3A_33 : vector<16x512xi1>, vector<16x512xf32>
      %sub3A = vector.broadcast %broadcast_in_dim3A_37 : vector<16x1xf32> to vector<16x1024xf32>
      %sub3A_65 = arith.subf %get3A_1, %sub3A : vector<16x1024xf32>
      %sub3A_66 = vector.broadcast %broadcast_in_dim3A_43 : vector<16x1xf32> to vector<16x1024xf32>
      %sub3A_67 = arith.subf %get3A_4, %sub3A_66 : vector<16x1024xf32>
      %sub3A_68 = vector.broadcast %broadcast_in_dim3A_49 : vector<16x1xf32> to vector<16x1024xf32>
      %sub3A_69 = arith.subf %get3A_7, %sub3A_68 : vector<16x1024xf32>
      %mul3A = arith.mulf %sub3A_65, %sub3A_65 : vector<16x1024xf32>
      %mul3A_70 = arith.mulf %sub3A_67, %sub3A_67 : vector<16x1024xf32>
      %add3A = arith.addf %mul3A, %mul3A_70 : vector<16x1024xf32>
      %mul3A_71 = arith.mulf %sub3A_69, %sub3A_69 : vector<16x1024xf32>
      %add3A_72 = arith.addf %add3A, %mul3A_71 : vector<16x1024xf32>
      %min3A = arith.minimumf %scan3A_29, %add3A_72 : vector<16x1024xf32>
      %reduce_max3A = arith.constant dense<0xFF800000> : vector<16xf32>
      %reduce_max3A_73 = vector.multi_reduction <maximumf>, %min3A, %reduce_max3A [1] : vector<16x1024xf32> to vector<16xf32>
      %broadcast_in_dim3A_74 = vector.shape_cast %reduce_max3A_73 : vector<16xf32> to vector<16x1xf32>
      %eq3A_75 = vector.broadcast %broadcast_in_dim3A_74 : vector<16x1xf32> to vector<16x1024xf32>
      %eq3A_76 = arith.cmpf oeq, %min3A, %eq3A_75 : vector<16x1024xf32>
      %jit3A_77 = arith.constant 1073741824 : i32
      %broadcast_in_dim3A_78 = vector.broadcast %jit3A_77 : i32 to vector<16x1024xi32>
      %select_n3A_79 = arith.select %eq3A_76, %iota3A, %broadcast_in_dim3A_78 : vector<16x1024xi1>, vector<16x1024xi32>
      %reduce_min3A = arith.constant dense<2147483647> : vector<16xi32>
      %reduce_min3A_80 = vector.multi_reduction <minsi>, %select_n3A_79, %reduce_min3A [1] : vector<16x1024xi32> to vector<16xi32>
      %broadcast_in_dim3A_81 = vector.shape_cast %reduce_min3A_80 : vector<16xi32> to vector<16x1xi32>
      scf.yield %min3A, %broadcast_in_dim3A_81, %select_n3A_54, %select_n3A_59, %select_n3A_64 : vector<16x1024xf32>, vector<16x1xi32>, vector<16x512xf32>, vector<16x512xf32>, vector<16x512xf32>
    }
    %scan3A_19 = arith.constant 512 : i32
    %swap3A = arith.constant 0 : index
    %swap3A_20 = arith.constant 0 : index
    %swap3A_21 = vector.load %arg4[%swap3A, %swap3A_20] : memref<16x512xf32, #tpu.memory_space<vmem>>, vector<16x512xf32>
    tpu.vector_store %arg4[%swap3A, %swap3A_20], %scan3A_18#2 {strides = array<i32>} : memref<16x512xf32, #tpu.memory_space<vmem>>, vector<16x512xf32>,
    %swap3A_22 = arith.constant 0 : index
    %swap3A_23 = arith.constant 0 : index
    %swap3A_24 = vector.load %arg5[%swap3A_22, %swap3A_23] : memref<16x512xf32, #tpu.memory_space<vmem>>, vector<16x512xf32>
    tpu.vector_store %arg5[%swap3A_22, %swap3A_23], %scan3A_18#3 {strides = array<i32>} : memref<16x512xf32, #tpu.memory_space<vmem>>, vector<16x512xf32>,
    %swap3A_25 = arith.constant 0 : index
    %swap3A_26 = arith.constant 0 : index
    %swap3A_27 = vector.load %arg6[%swap3A_25, %swap3A_26] : memref<16x512xf32, #tpu.memory_space<vmem>>, vector<16x512xf32>
    tpu.vector_store %arg6[%swap3A_25, %swap3A_26], %scan3A_18#4 {strides = array<i32>} : memref<16x512xf32, #tpu.memory_space<vmem>>, vector<16x512xf32>,
    return
  }
}

module attributes {stable_mosaic.version = 14 : i64} {
  func.func @_gcorr_body(%arg0: i32, %arg1: memref<1x1024x3xf32, #tpu.memory_space<vmem>>, %arg2: memref<1x1024x64xf32, #tpu.memory_space<vmem>>, %arg3: memref<1x512x3xf32, #tpu.memory_space<vmem>>, %arg4: memref<64x3xf32, #tpu.memory_space<vmem>>, %arg5: memref<64x64xf32, #tpu.memory_space<vmem>>, %arg6: memref<1x64xf32, #tpu.memory_space<vmem>>, %arg7: memref<1x1024x64xf32, #tpu.memory_space<vmem>>, %arg8: memref<1x512x64xf32, #tpu.memory_space<vmem>>) attributes {dimension_semantics = [#tpu.dimension_semantics<arbitrary>], iteration_bounds = array<i64: 16>, scalar_prefetch = 0 : i64, scratch_operands = 0 : i64, tpu.core_type = #tpu.core_type<tc>, window_params = [{transform_indices = @transform_0, window_bounds = array<i64: 1, 1024, 3>}, {transform_indices = @transform_1, window_bounds = array<i64: 1, 1024, 64>}, {transform_indices = @transform_2, window_bounds = array<i64: 1, 512, 3>}, {pipeline_mode = #tpu.pipeline_mode<synchronous>, transform_indices = @transform_3, window_bounds = array<i64: 64, 3>}, {pipeline_mode = #tpu.pipeline_mode<synchronous>, transform_indices = @transform_4, window_bounds = array<i64: 64, 64>}, {pipeline_mode = #tpu.pipeline_mode<synchronous>, transform_indices = @transform_5, window_bounds = array<i64: 1, 64>}, {transform_indices = @transform_6, window_bounds = array<i64: 1, 1024, 64>}, {transform_indices = @transform_7, window_bounds = array<i64: 1, 512, 64>}]} {
    %get3A = arith.constant 0 : index
    %get3A_0 = arith.constant 0 : index
    %get3A_1 = arith.constant 0 : index
    %get3A_2 = vector.load %arg1[%get3A, %get3A_0, %get3A_1] : memref<1x1024x3xf32, #tpu.memory_space<vmem>>, vector<1x1024x3xf32>
    %get3A_3 = vector.shape_cast %get3A_2 : vector<1x1024x3xf32> to vector<1024x3xf32>
    %get3A_4 = arith.constant 0 : index
    %get3A_5 = arith.constant 0 : index
    %get3A_6 = arith.constant 0 : index
    %get3A_7 = vector.load %arg2[%get3A_4, %get3A_5, %get3A_6] : memref<1x1024x64xf32, #tpu.memory_space<vmem>>, vector<1x1024x64xf32>
    %get3A_8 = vector.shape_cast %get3A_7 : vector<1x1024x64xf32> to vector<1024x64xf32>
    %get3A_9 = arith.constant 0 : index
    %get3A_10 = arith.constant 0 : index
    %get3A_11 = arith.constant 0 : index
    %get3A_12 = vector.load %arg3[%get3A_9, %get3A_10, %get3A_11] : memref<1x512x3xf32, #tpu.memory_space<vmem>>, vector<1x512x3xf32>
    %get3A_13 = vector.shape_cast %get3A_12 : vector<1x512x3xf32> to vector<512x3xf32>
    %get3A_14 = arith.constant 0 : index
    %get3A_15 = arith.constant 0 : index
    %get3A_16 = vector.load %arg4[%get3A_14, %get3A_15] : memref<64x3xf32, #tpu.memory_space<vmem>>, vector<64x3xf32>
    %get3A_17 = arith.constant 0 : index
    %get3A_18 = arith.constant 0 : index
    %get3A_19 = vector.load %arg5[%get3A_17, %get3A_18] : memref<64x64xf32, #tpu.memory_space<vmem>>, vector<64x64xf32>
    %convert_element_type3A = arith.truncf %get3A_8 : vector<1024x64xf32> to vector<1024x64xbf16>
    %convert_element_type3A_20 = arith.truncf %get3A_19 : vector<64x64xf32> to vector<64x64xbf16>
    %dot_general3A = arith.constant dense<0.000000e+00> : vector<1024x64xf32>
    %dot_general3A_21 = tpu.matmul %convert_element_type3A, %convert_element_type3A_20, %dot_general3A {dimension_numbers = #tpu.dot_dimension_numbers<[1], [1], [0], [0], [0, 0, 1, 0], [], []>, transpose_lhs_hint = false} : vector<1024x64xbf16>, vector<64x64xbf16>, vector<1024x64xf32> -> vector<1024x64xf32>
    %convert_element_type3A_22 = arith.truncf %get3A_3 : vector<1024x3xf32> to vector<1024x3xbf16>
    %convert_element_type3A_23 = arith.truncf %get3A_16 : vector<64x3xf32> to vector<64x3xbf16>
    %dot_general3A_24 = arith.constant dense<0.000000e+00> : vector<1024x64xf32>
    %dot_general3A_25 = tpu.matmul %convert_element_type3A_22, %convert_element_type3A_23, %dot_general3A_24 {dimension_numbers = #tpu.dot_dimension_numbers<[1], [1], [0], [0], [0, 0, 1, 0], [], []>, transpose_lhs_hint = false} : vector<1024x3xbf16>, vector<64x3xbf16>, vector<1024x64xf32> -> vector<1024x64xf32>
    %add3A = arith.addf %dot_general3A_25, %dot_general3A_21 : vector<1024x64xf32>
    %get3A_26 = arith.constant 0 : index
    %get3A_27 = arith.constant 0 : index
    %get3A_28 = vector.load %arg6[%get3A_26, %get3A_27] : memref<1x64xf32, #tpu.memory_space<vmem>>, vector<1x64xf32>
    %add3A_29 = vector.broadcast %get3A_28 : vector<1x64xf32> to vector<1024x64xf32>
    %add3A_30 = arith.addf %add3A, %add3A_29 : vector<1024x64xf32>
    %swap3A = arith.constant 0 : index
    %swap3A_31 = arith.constant 0 : index
    %swap3A_32 = arith.constant 0 : index
    %swap3A_33 = vector.load %arg7[%swap3A, %swap3A_31, %swap3A_32] : memref<1x1024x64xf32, #tpu.memory_space<vmem>>, vector<1x1024x64xf32>
    %swap3A_34 = vector.shape_cast %swap3A_33 : vector<1x1024x64xf32> to vector<1024x64xf32>
    %swap3A_35 = vector.shape_cast %add3A_30 : vector<1024x64xf32> to vector<1x1024x64xf32>
    tpu.vector_store %arg7[%swap3A, %swap3A_31, %swap3A_32], %swap3A_35 {strides = array<i32>} : memref<1x1024x64xf32, #tpu.memory_space<vmem>>, vector<1x1024x64xf32>,
    %convert_element_type3A_36 = arith.truncf %get3A_13 : vector<512x3xf32> to vector<512x3xbf16>
    %convert_element_type3A_37 = arith.truncf %get3A_16 : vector<64x3xf32> to vector<64x3xbf16>
    %dot_general3A_38 = arith.constant dense<0.000000e+00> : vector<512x64xf32>
    %dot_general3A_39 = tpu.matmul %convert_element_type3A_36, %convert_element_type3A_37, %dot_general3A_38 {dimension_numbers = #tpu.dot_dimension_numbers<[1], [1], [0], [0], [0, 0, 1, 0], [], []>, transpose_lhs_hint = false} : vector<512x3xbf16>, vector<64x3xbf16>, vector<512x64xf32> -> vector<512x64xf32>
    %swap3A_40 = arith.constant 0 : index
    %swap3A_41 = arith.constant 0 : index
    %swap3A_42 = arith.constant 0 : index
    %swap3A_43 = vector.load %arg8[%swap3A_40, %swap3A_41, %swap3A_42] : memref<1x512x64xf32, #tpu.memory_space<vmem>>, vector<1x512x64xf32>
    %swap3A_44 = vector.shape_cast %swap3A_43 : vector<1x512x64xf32> to vector<512x64xf32>
    %swap3A_45 = vector.shape_cast %dot_general3A_39 : vector<512x64xf32> to vector<1x512x64xf32>
    tpu.vector_store %arg8[%swap3A_40, %swap3A_41, %swap3A_42], %swap3A_45 {strides = array<i32>} : memref<1x512x64xf32, #tpu.memory_space<vmem>>, vector<1x512x64xf32>,
    return
  }
  func.func @transform_0(%arg0: i32) -> (i32, i32, i32) {
    %c0_i32 = arith.constant 0 : i32
    %c0_i32_0 = arith.constant 0 : i32
    %c0_i32_1 = arith.constant 0 : i32
    return %arg0, %c0_i32, %c0_i32_0 : i32, i32, i32
  }
  func.func @transform_1(%arg0: i32) -> (i32, i32, i32) {
    %c0_i32 = arith.constant 0 : i32
    %c0_i32_0 = arith.constant 0 : i32
    %c0_i32_1 = arith.constant 0 : i32
    return %arg0, %c0_i32, %c0_i32_0 : i32, i32, i32
  }
  func.func @transform_2(%arg0: i32) -> (i32, i32, i32) {
    %c0_i32 = arith.constant 0 : i32
    %c0_i32_0 = arith.constant 0 : i32
    %c0_i32_1 = arith.constant 0 : i32
    return %arg0, %c0_i32, %c0_i32_0 : i32, i32, i32
  }
  func.func @transform_3(%arg0: i32) -> (i32, i32) {
    %c0_i32 = arith.constant 0 : i32
    %c0_i32_0 = arith.constant 0 : i32
    %c0_i32_1 = arith.constant 0 : i32
    return %c0_i32, %c0_i32_0 : i32, i32
  }
  func.func @transform_4(%arg0: i32) -> (i32, i32) {
    %c0_i32 = arith.constant 0 : i32
    %c0_i32_0 = arith.constant 0 : i32
    %c0_i32_1 = arith.constant 0 : i32
    return %c0_i32, %c0_i32_0 : i32, i32
  }
  func.func @transform_5(%arg0: i32) -> (i32, i32) {
    %c0_i32 = arith.constant 0 : i32
    %c0_i32_0 = arith.constant 0 : i32
    %c0_i32_1 = arith.constant 0 : i32
    return %c0_i32, %c0_i32_0 : i32, i32
  }
  func.func @transform_6(%arg0: i32) -> (i32, i32, i32) {
    %c0_i32 = arith.constant 0 : i32
    %c0_i32_0 = arith.constant 0 : i32
    %c0_i32_1 = arith.constant 0 : i32
    return %arg0, %c0_i32, %c0_i32_0 : i32, i32, i32
  }
  func.func @transform_7(%arg0: i32) -> (i32, i32, i32) {
    %c0_i32 = arith.constant 0 : i32
    %c0_i32_0 = arith.constant 0 : i32
    %c0_i32_1 = arith.constant 0 : i32
    return %arg0, %c0_i32, %c0_i32_0 : i32, i32, i32
  }
}

module attributes {stable_mosaic.version = 14 : i64} {
  func.func @_topk_body(%arg0: i32, %arg1: i32, %arg2: memref<1x1x1024xf32, #tpu.memory_space<vmem>>, %arg3: memref<1x1x1024xf32, #tpu.memory_space<vmem>>, %arg4: memref<1x1x1024xf32, #tpu.memory_space<vmem>>, %arg5: memref<1x1x128xf32, #tpu.memory_space<vmem>>, %arg6: memref<1x1x128xf32, #tpu.memory_space<vmem>>, %arg7: memref<1x1x128xf32, #tpu.memory_space<vmem>>, %arg8: memref<1x128x32xi32, #tpu.memory_space<vmem>>) attributes {dimension_semantics = [#tpu.dimension_semantics<arbitrary>, #tpu.dimension_semantics<arbitrary>], iteration_bounds = array<i64: 16, 4>, scalar_prefetch = 0 : i64, scratch_operands = 0 : i64, tpu.core_type = #tpu.core_type<tc>, window_params = [{transform_indices = @transform_0, window_bounds = array<i64: 1, 1, 1024>}, {transform_indices = @transform_1, window_bounds = array<i64: 1, 1, 1024>}, {transform_indices = @transform_2, window_bounds = array<i64: 1, 1, 1024>}, {transform_indices = @transform_3, window_bounds = array<i64: 1, 1, 128>}, {transform_indices = @transform_4, window_bounds = array<i64: 1, 1, 128>}, {transform_indices = @transform_5, window_bounds = array<i64: 1, 1, 128>}, {transform_indices = @transform_6, window_bounds = array<i64: 1, 128, 32>}]} {
    %get3A = arith.constant 0 : index
    %get3A_0 = arith.constant 0 : index
    %get3A_1 = arith.constant 0 : index
    %get3A_2 = vector.load %arg2[%get3A, %get3A_0, %get3A_1] : memref<1x1x1024xf32, #tpu.memory_space<vmem>>, vector<1x1x1024xf32>
    %get3A_3 = vector.shape_cast %get3A_2 : vector<1x1x1024xf32> to vector<1x1024xf32>
    %get3A_4 = arith.constant 0 : index
    %get3A_5 = arith.constant 0 : index
    %get3A_6 = arith.constant 0 : index
    %get3A_7 = vector.load %arg3[%get3A_4, %get3A_5, %get3A_6] : memref<1x1x1024xf32, #tpu.memory_space<vmem>>, vector<1x1x1024xf32>
    %get3A_8 = vector.shape_cast %get3A_7 : vector<1x1x1024xf32> to vector<1x1024xf32>
    %get3A_9 = arith.constant 0 : index
    %get3A_10 = arith.constant 0 : index
    %get3A_11 = arith.constant 0 : index
    %get3A_12 = vector.load %arg4[%get3A_9, %get3A_10, %get3A_11] : memref<1x1x1024xf32, #tpu.memory_space<vmem>>, vector<1x1x1024xf32>
    %get3A_13 = vector.shape_cast %get3A_12 : vector<1x1x1024xf32> to vector<1x1024xf32>
    %get3A_14 = arith.constant 0 : index
    %get3A_15 = arith.constant 0 : index
    %get3A_16 = arith.constant 0 : index
    %get3A_17 = vector.load %arg5[%get3A_14, %get3A_15, %get3A_16] : memref<1x1x128xf32, #tpu.memory_space<vmem>>, vector<1x1x128xf32>
    %get3A_18 = vector.shape_cast %get3A_17 : vector<1x1x128xf32> to vector<1x128xf32>
    %reshape3A = vector.shape_cast %get3A_18 : vector<1x128xf32> to vector<128x1xf32>
    %get3A_19 = arith.constant 0 : index
    %get3A_20 = arith.constant 0 : index
    %get3A_21 = arith.constant 0 : index
    %get3A_22 = vector.load %arg6[%get3A_19, %get3A_20, %get3A_21] : memref<1x1x128xf32, #tpu.memory_space<vmem>>, vector<1x1x128xf32>
    %get3A_23 = vector.shape_cast %get3A_22 : vector<1x1x128xf32> to vector<1x128xf32>
    %reshape3A_24 = vector.shape_cast %get3A_23 : vector<1x128xf32> to vector<128x1xf32>
    %get3A_25 = arith.constant 0 : index
    %get3A_26 = arith.constant 0 : index
    %get3A_27 = arith.constant 0 : index
    %get3A_28 = vector.load %arg7[%get3A_25, %get3A_26, %get3A_27] : memref<1x1x128xf32, #tpu.memory_space<vmem>>, vector<1x1x128xf32>
    %get3A_29 = vector.shape_cast %get3A_28 : vector<1x1x128xf32> to vector<1x128xf32>
    %reshape3A_30 = vector.shape_cast %get3A_29 : vector<1x128xf32> to vector<128x1xf32>
    %convert_element_type3A = arith.truncf %reshape3A : vector<128x1xf32> to vector<128x1xbf16>
    %convert_element_type3A_31 = arith.extf %convert_element_type3A : vector<128x1xbf16> to vector<128x1xf32>
    %convert_element_type3A_32 = arith.truncf %get3A_3 : vector<1x1024xf32> to vector<1x1024xbf16>
    %convert_element_type3A_33 = arith.extf %convert_element_type3A_32 : vector<1x1024xbf16> to vector<1x1024xf32>
    %mul3A = vector.broadcast %convert_element_type3A_31 : vector<128x1xf32> to vector<128x1024xf32>
    %mul3A_34 = vector.broadcast %convert_element_type3A_33 : vector<1x1024xf32> to vector<128x1024xf32>
    %mul3A_35 = arith.mulf %mul3A, %mul3A_34 : vector<128x1024xf32>
    %convert_element_type3A_36 = arith.truncf %reshape3A_24 : vector<128x1xf32> to vector<128x1xbf16>
    %convert_element_type3A_37 = arith.extf %convert_element_type3A_36 : vector<128x1xbf16> to vector<128x1xf32>
    %convert_element_type3A_38 = arith.truncf %get3A_8 : vector<1x1024xf32> to vector<1x1024xbf16>
    %convert_element_type3A_39 = arith.extf %convert_element_type3A_38 : vector<1x1024xbf16> to vector<1x1024xf32>
    %mul3A_40 = vector.broadcast %convert_element_type3A_37 : vector<128x1xf32> to vector<128x1024xf32>
    %mul3A_41 = vector.broadcast %convert_element_type3A_39 : vector<1x1024xf32> to vector<128x1024xf32>
    %mul3A_42 = arith.mulf %mul3A_40, %mul3A_41 : vector<128x1024xf32>
    %add3A = arith.addf %mul3A_35, %mul3A_42 : vector<128x1024xf32>
    %convert_element_type3A_43 = arith.truncf %reshape3A_30 : vector<128x1xf32> to vector<128x1xbf16>
    %convert_element_type3A_44 = arith.extf %convert_element_type3A_43 : vector<128x1xbf16> to vector<128x1xf32>
    %convert_element_type3A_45 = arith.truncf %get3A_13 : vector<1x1024xf32> to vector<1x1024xbf16>
    %convert_element_type3A_46 = arith.extf %convert_element_type3A_45 : vector<1x1024xbf16> to vector<1x1024xf32>
    %mul3A_47 = vector.broadcast %convert_element_type3A_44 : vector<128x1xf32> to vector<128x1024xf32>
    %mul3A_48 = vector.broadcast %convert_element_type3A_46 : vector<1x1024xf32> to vector<128x1024xf32>
    %mul3A_49 = arith.mulf %mul3A_47, %mul3A_48 : vector<128x1024xf32>
    %add3A_50 = arith.addf %add3A, %mul3A_49 : vector<128x1024xf32>
    %mul3A_51 = arith.mulf %get3A_3, %get3A_3 : vector<1x1024xf32>
    %mul3A_52 = arith.mulf %get3A_8, %get3A_8 : vector<1x1024xf32>
    %add3A_53 = arith.addf %mul3A_51, %mul3A_52 : vector<1x1024xf32>
    %mul3A_54 = arith.mulf %get3A_13, %get3A_13 : vector<1x1024xf32>
    %add3A_55 = arith.addf %add3A_53, %mul3A_54 : vector<1x1024xf32>
    %mul3A_56 = arith.mulf %reshape3A, %reshape3A : vector<128x1xf32>
    %mul3A_57 = arith.mulf %reshape3A_24, %reshape3A_24 : vector<128x1xf32>
    %add3A_58 = arith.addf %mul3A_56, %mul3A_57 : vector<128x1xf32>
    %mul3A_59 = arith.mulf %reshape3A_30, %reshape3A_30 : vector<128x1xf32>
    %add3A_60 = arith.addf %add3A_58, %mul3A_59 : vector<128x1xf32>
    %mul3A_61 = arith.constant -2.000000e+00 : f32
    %mul3A_62 = vector.broadcast %mul3A_61 : f32 to vector<128x1024xf32>
    %mul3A_63 = arith.mulf %mul3A_62, %add3A_50 : vector<128x1024xf32>
    %add3A_64 = vector.broadcast %add3A_55 : vector<1x1024xf32> to vector<128x1024xf32>
    %add3A_65 = arith.addf %mul3A_63, %add3A_64 : vector<128x1024xf32>
    %add3A_66 = vector.broadcast %add3A_60 : vector<128x1xf32> to vector<128x1024xf32>
    %add3A_67 = arith.addf %add3A_65, %add3A_66 : vector<128x1024xf32>
    %iota3A = tpu.iota {dimensions = array<i32: 1>} : vector<128x1024xi32>
    %iota3A_68 = tpu.iota {dimensions = array<i32: 1>} : vector<128x32xi32>
    %broadcast_in_dim3A = arith.constant 0 : i32
    %broadcast_in_dim3A_69 = vector.broadcast %broadcast_in_dim3A : i32 to vector<128x32xi32>
    %scan3A = arith.constant 0 : i32
    %scan3A_70 = arith.constant 32 : i32
    %scan3A_71 = arith.addi %scan3A, %scan3A_70 : i32
    %scan3A_72 = arith.constant 1 : i32
    %scan3A_73:2 = scf.for %scan3A_84 = %scan3A to %scan3A_71 step %scan3A_72 iter_args(%scan3A_85 = %add3A_67, %scan3A_86 = %broadcast_in_dim3A_69) -> (vector<128x1024xf32>, vector<128x32xi32>)  : i32 {
      %reduce_min3A = arith.constant dense<0x7F800000> : vector<128xf32>
      %reduce_min3A_87 = vector.multi_reduction <minimumf>, %scan3A_85, %reduce_min3A [1] : vector<128x1024xf32> to vector<128xf32>
      %broadcast_in_dim3A_88 = vector.shape_cast %reduce_min3A_87 : vector<128xf32> to vector<128x1xf32>
      %eq3A = vector.broadcast %broadcast_in_dim3A_88 : vector<128x1xf32> to vector<128x1024xf32>
      %eq3A_89 = arith.cmpf oeq, %scan3A_85, %eq3A : vector<128x1024xf32>
      %jit3A = arith.constant 1073741824 : i32
      %broadcast_in_dim3A_90 = vector.broadcast %jit3A : i32 to vector<128x1024xi32>
      %select_n3A = arith.select %eq3A_89, %iota3A, %broadcast_in_dim3A_90 : vector<128x1024xi1>, vector<128x1024xi32>
      %reduce_min3A_91 = arith.constant dense<2147483647> : vector<128xi32>
      %reduce_min3A_92 = vector.multi_reduction <minsi>, %select_n3A, %reduce_min3A_91 [1] : vector<128x1024xi32> to vector<128xi32>
      %broadcast_in_dim3A_93 = vector.shape_cast %reduce_min3A_92 : vector<128xi32> to vector<128x1xi32>
      %eq3A_94 = vector.broadcast %scan3A_84 : i32 to vector<128x32xi32>
      %eq3A_95 = arith.cmpi eq, %iota3A_68, %eq3A_94 : vector<128x32xi32>
      %broadcast_in_dim3A_96 = vector.shape_cast %broadcast_in_dim3A_93 : vector<128x1xi32> to vector<128x1xi32>
      %broadcast_in_dim3A_97 = vector.broadcast %broadcast_in_dim3A_96 : vector<128x1xi32> to vector<128x32xi32>
      %select_n3A_98 = arith.select %eq3A_95, %broadcast_in_dim3A_97, %scan3A_86 : vector<128x32xi1>, vector<128x32xi32>
      %eq3A_99 = vector.broadcast %broadcast_in_dim3A_93 : vector<128x1xi32> to vector<128x1024xi32>
      %eq3A_100 = arith.cmpi eq, %iota3A, %eq3A_99 : vector<128x1024xi32>
      %jit3A_101 = arith.constant 1.000000e+30 : f32
      %broadcast_in_dim3A_102 = vector.broadcast %jit3A_101 : f32 to vector<128x1024xf32>
      %select_n3A_103 = arith.select %eq3A_100, %broadcast_in_dim3A_102, %scan3A_85 : vector<128x1024xi1>, vector<128x1024xf32>
      scf.yield %select_n3A_103, %select_n3A_98 : vector<128x1024xf32>, vector<128x32xi32>
    }
    %scan3A_74 = arith.constant 32 : i32
    %mul3A_75 = arith.constant 1024 : i32
    %mul3A_76 = arith.muli %arg0, %mul3A_75 : i32
    %add3A_77 = vector.broadcast %mul3A_76 : i32 to vector<128x32xi32>
    %add3A_78 = arith.addi %scan3A_73#1, %add3A_77 : vector<128x32xi32>
    %swap3A = arith.constant 0 : index
    %swap3A_79 = arith.constant 0 : index
    %swap3A_80 = arith.constant 0 : index
    %swap3A_81 = vector.load %arg8[%swap3A, %swap3A_79, %swap3A_80] : memref<1x128x32xi32, #tpu.memory_space<vmem>>, vector<1x128x32xi32>
    %swap3A_82 = vector.shape_cast %swap3A_81 : vector<1x128x32xi32> to vector<128x32xi32>
    %swap3A_83 = vector.shape_cast %add3A_78 : vector<128x32xi32> to vector<1x128x32xi32>
    tpu.vector_store %arg8[%swap3A, %swap3A_79, %swap3A_80], %swap3A_83 {strides = array<i32>} : memref<1x128x32xi32, #tpu.memory_space<vmem>>, vector<1x128x32xi32>,
    return
  }
  func.func @transform_0(%arg0: i32, %arg1: i32) -> (i32, i32, i32) {
    %c0_i32 = arith.constant 0 : i32
    %c0_i32_0 = arith.constant 0 : i32
    %c0_i32_1 = arith.constant 0 : i32
    return %arg0, %c0_i32, %c0_i32_0 : i32, i32, i32
  }
  func.func @transform_1(%arg0: i32, %arg1: i32) -> (i32, i32, i32) {
    %c0_i32 = arith.constant 0 : i32
    %c0_i32_0 = arith.constant 0 : i32
    %c0_i32_1 = arith.constant 0 : i32
    return %arg0, %c0_i32, %c0_i32_0 : i32, i32, i32
  }
  func.func @transform_2(%arg0: i32, %arg1: i32) -> (i32, i32, i32) {
    %c0_i32 = arith.constant 0 : i32
    %c0_i32_0 = arith.constant 0 : i32
    %c0_i32_1 = arith.constant 0 : i32
    return %arg0, %c0_i32, %c0_i32_0 : i32, i32, i32
  }
  func.func @transform_3(%arg0: i32, %arg1: i32) -> (i32, i32, i32) {
    %c0_i32 = arith.constant 0 : i32
    %c0_i32_0 = arith.constant 0 : i32
    return %arg0, %c0_i32, %arg1 : i32, i32, i32
  }
  func.func @transform_4(%arg0: i32, %arg1: i32) -> (i32, i32, i32) {
    %c0_i32 = arith.constant 0 : i32
    %c0_i32_0 = arith.constant 0 : i32
    return %arg0, %c0_i32, %arg1 : i32, i32, i32
  }
  func.func @transform_5(%arg0: i32, %arg1: i32) -> (i32, i32, i32) {
    %c0_i32 = arith.constant 0 : i32
    %c0_i32_0 = arith.constant 0 : i32
    return %arg0, %c0_i32, %arg1 : i32, i32, i32
  }
  func.func @transform_6(%arg0: i32, %arg1: i32) -> (i32, i32, i32) {
    %c0_i32 = arith.constant 0 : i32
    %c0_i32_0 = arith.constant 0 : i32
    return %arg0, %arg1, %c0_i32 : i32, i32, i32
  }
}

module attributes {stable_mosaic.version = 14 : i64} {
  func.func @_stats1_body(%arg0: i32, %arg1: memref<4096x64xf32, #tpu.memory_space<vmem>>, %arg2: memref<128x64xf32, #tpu.memory_space<vmem>>, %arg3: memref<2x64xf32, #tpu.memory_space<vmem>>) attributes {dimension_semantics = [#tpu.dimension_semantics<arbitrary>], iteration_bounds = array<i64: 64>, scalar_prefetch = 0 : i64, scratch_operands = 0 : i64, tpu.core_type = #tpu.core_type<tc>, window_params = [{transform_indices = @transform_0, window_bounds = array<i64: 4096, 64>}, {transform_indices = @transform_1, window_bounds = array<i64: 128, 64>}, {pipeline_mode = #tpu.pipeline_mode<synchronous>, transform_indices = @transform_2, window_bounds = array<i64: 2, 64>}]} {
    %get3A = arith.constant 0 : index
    %get3A_0 = arith.constant 0 : index
    %get3A_1 = vector.load %arg2[%get3A, %get3A_0] : memref<128x64xf32, #tpu.memory_space<vmem>>, vector<128x64xf32>
    %broadcast_in_dim3A = vector.shape_cast %get3A_1 : vector<128x64xf32> to vector<128x1x64xf32>
    %broadcast_in_dim3A_2 = vector.shape_cast %broadcast_in_dim3A : vector<128x1x64xf32> to vector<128x1x64xf32>
    %broadcast_in_dim3A_3 = vector.broadcast %broadcast_in_dim3A_2 : vector<128x1x64xf32> to vector<128x32x64xf32>
    %reshape3A = vector.shape_cast %broadcast_in_dim3A_3 : vector<128x32x64xf32> to vector<4096x64xf32>
    %get3A_4 = arith.constant 0 : index
    %get3A_5 = arith.constant 0 : index
    %get3A_6 = vector.load %arg1[%get3A_4, %get3A_5] : memref<4096x64xf32, #tpu.memory_space<vmem>>, vector<4096x64xf32>
    %sub3A = arith.subf %get3A_6, %reshape3A : vector<4096x64xf32>
    %reduce_sum3A = arith.constant dense<0.000000e+00> : vector<64xf32>
    %reduce_sum3A_7 = vector.multi_reduction <add>, %sub3A, %reduce_sum3A [0] : vector<4096x64xf32> to vector<64xf32>
    %broadcast_in_dim3A_8 = vector.shape_cast %reduce_sum3A_7 : vector<64xf32> to vector<1x64xf32>
    %mul3A = arith.mulf %sub3A, %sub3A : vector<4096x64xf32>
    %reduce_sum3A_9 = arith.constant dense<0.000000e+00> : vector<64xf32>
    %reduce_sum3A_10 = vector.multi_reduction <add>, %mul3A, %reduce_sum3A_9 [0] : vector<4096x64xf32> to vector<64xf32>
    %broadcast_in_dim3A_11 = vector.shape_cast %reduce_sum3A_10 : vector<64xf32> to vector<1x64xf32>
    %concatenate3A = tpu.concatenate %broadcast_in_dim3A_8, %broadcast_in_dim3A_11 in 0 : vector<1x64xf32>, vector<1x64xf32> -> vector<2x64xf32>
    %eq3A = arith.constant 0 : i32
    %eq3A_12 = arith.cmpi eq, %arg0, %eq3A : i32
    %convert_element_type3A = arith.extui %eq3A_12 : i1 to i32
    %cond3A = arith.constant 0 : i32
    %cond3A_13 = arith.cmpi ne, %convert_element_type3A, %cond3A : i32
    scf.if %cond3A_13 {
      %swap3A = arith.constant 0 : index
      %swap3A_18 = arith.constant 0 : index
      %swap3A_19 = vector.load %arg3[%swap3A, %swap3A_18] : memref<2x64xf32, #tpu.memory_space<vmem>>, vector<2x64xf32>
      tpu.vector_store %arg3[%swap3A, %swap3A_18], %concatenate3A {strides = array<i32>} : memref<2x64xf32, #tpu.memory_space<vmem>>, vector<2x64xf32>,
    } else {
    }
    %gt3A = arith.constant 0 : i32
    %gt3A_14 = arith.cmpi sgt, %arg0, %gt3A : i32
    %convert_element_type3A_15 = arith.extui %gt3A_14 : i1 to i32
    %cond3A_16 = arith.constant 0 : i32
    %cond3A_17 = arith.cmpi ne, %convert_element_type3A_15, %cond3A_16 : i32
    scf.if %cond3A_17 {
      %get3A_18 = arith.constant 0 : index
      %get3A_19 = arith.constant 0 : index
      %get3A_20 = vector.load %arg3[%get3A_18, %get3A_19] : memref<2x64xf32, #tpu.memory_space<vmem>>, vector<2x64xf32>
      %add3A = arith.addf %get3A_20, %concatenate3A : vector<2x64xf32>
      %swap3A = arith.constant 0 : index
      %swap3A_21 = arith.constant 0 : index
      %swap3A_22 = vector.load %arg3[%swap3A, %swap3A_21] : memref<2x64xf32, #tpu.memory_space<vmem>>, vector<2x64xf32>
      tpu.vector_store %arg3[%swap3A, %swap3A_21], %add3A {strides = array<i32>} : memref<2x64xf32, #tpu.memory_space<vmem>>, vector<2x64xf32>,
    } else {
    }
    return
  }
  func.func @transform_0(%arg0: i32) -> (i32, i32) {
    %c0_i32 = arith.constant 0 : i32
    %c0_i32_0 = arith.constant 0 : i32
    return %arg0, %c0_i32 : i32, i32
  }
  func.func @transform_1(%arg0: i32) -> (i32, i32) {
    %c0_i32 = arith.constant 0 : i32
    %c0_i32_0 = arith.constant 0 : i32
    return %arg0, %c0_i32 : i32, i32
  }
  func.func @transform_2(%arg0: i32) -> (i32, i32) {
    %c0_i32 = arith.constant 0 : i32
    %c0_i32_0 = arith.constant 0 : i32
    %c0_i32_1 = arith.constant 0 : i32
    return %c0_i32, %c0_i32_0 : i32, i32
  }
}

module attributes {stable_mosaic.version = 14 : i64} {
  func.func @_l2_body(%arg0: i32, %arg1: memref<4096x64xf32, #tpu.memory_space<vmem>>, %arg2: memref<128x64xf32, #tpu.memory_space<vmem>>, %arg3: memref<2x64xf32, #tpu.memory_space<vmem>>, %arg4: memref<1x64xf32, #tpu.memory_space<vmem>>, %arg5: memref<1x64xf32, #tpu.memory_space<vmem>>, %arg6: memref<64x64xf32, #tpu.memory_space<vmem>>, %arg7: memref<4096x64xf32, #tpu.memory_space<vmem>>, %arg8: memref<2x64xf32, #tpu.memory_space<vmem>>) attributes {dimension_semantics = [#tpu.dimension_semantics<arbitrary>], iteration_bounds = array<i64: 64>, scalar_prefetch = 0 : i64, scratch_operands = 0 : i64, tpu.core_type = #tpu.core_type<tc>, window_params = [{transform_indices = @transform_0, window_bounds = array<i64: 4096, 64>}, {transform_indices = @transform_1, window_bounds = array<i64: 128, 64>}, {pipeline_mode = #tpu.pipeline_mode<synchronous>, transform_indices = @transform_2, window_bounds = array<i64: 2, 64>}, {pipeline_mode = #tpu.pipeline_mode<synchronous>, transform_indices = @transform_3, window_bounds = array<i64: 1, 64>}, {pipeline_mode = #tpu.pipeline_mode<synchronous>, transform_indices = @transform_4, window_bounds = array<i64: 1, 64>}, {pipeline_mode = #tpu.pipeline_mode<synchronous>, transform_indices = @transform_5, window_bounds = array<i64: 64, 64>}, {transform_indices = @transform_6, window_bounds = array<i64: 4096, 64>}, {pipeline_mode = #tpu.pipeline_mode<synchronous>, transform_indices = @transform_7, window_bounds = array<i64: 2, 64>}]} {
    %get3A = arith.constant 0 : index
    %get3A_0 = arith.constant 0 : index
    %get3A_1 = vector.load %arg3[%get3A, %get3A_0] : memref<2x64xf32, #tpu.memory_space<vmem>>, vector<2x64xf32>
    %get3A_2 = arith.constant 0 : index
    %get3A_3 = arith.constant 0 : index
    %get3A_4 = vector.load %arg4[%get3A_2, %get3A_3] : memref<1x64xf32, #tpu.memory_space<vmem>>, vector<1x64xf32>
    %get3A_5 = arith.constant 0 : index
    %get3A_6 = arith.constant 0 : index
    %get3A_7 = vector.load %arg5[%get3A_5, %get3A_6] : memref<1x64xf32, #tpu.memory_space<vmem>>, vector<1x64xf32>
    %slice3A = vector.extract_strided_slice %get3A_1 {offsets = [0, 0], sizes = [1, 64], strides = [1, 1]} : vector<2x64xf32> to vector<1x64xf32>
    %div3A = arith.constant 2.621440e+05 : f32
    %div3A_8 = vector.broadcast %div3A : f32 to vector<1x64xf32>
    %div3A_9 = arith.divf %slice3A, %div3A_8 : vector<1x64xf32>
    %slice3A_10 = vector.extract_strided_slice %get3A_1 {offsets = [1, 0], sizes = [1, 64], strides = [1, 1]} : vector<2x64xf32> to vector<1x64xf32>
    %div3A_11 = arith.constant 2.621440e+05 : f32
    %div3A_12 = vector.broadcast %div3A_11 : f32 to vector<1x64xf32>
    %div3A_13 = arith.divf %slice3A_10, %div3A_12 : vector<1x64xf32>
    %mul3A = arith.mulf %div3A_9, %div3A_9 : vector<1x64xf32>
    %sub3A = arith.subf %div3A_13, %mul3A : vector<1x64xf32>
    %add3A = arith.constant 9.99999974E-6 : f32
    %add3A_14 = vector.broadcast %add3A : f32 to vector<1x64xf32>
    %add3A_15 = arith.addf %sub3A, %add3A_14 : vector<1x64xf32>
    %rsqrt3A = math.rsqrt %add3A_15 : vector<1x64xf32>
    %mul3A_16 = arith.mulf %get3A_4, %rsqrt3A : vector<1x64xf32>
    %mul3A_17 = arith.mulf %div3A_9, %mul3A_16 : vector<1x64xf32>
    %sub3A_18 = arith.subf %get3A_7, %mul3A_17 : vector<1x64xf32>
    %get3A_19 = arith.constant 0 : index
    %get3A_20 = arith.constant 0 : index
    %get3A_21 = vector.load %arg2[%get3A_19, %get3A_20] : memref<128x64xf32, #tpu.memory_space<vmem>>, vector<128x64xf32>
    %broadcast_in_dim3A = vector.shape_cast %get3A_21 : vector<128x64xf32> to vector<128x1x64xf32>
    %broadcast_in_dim3A_22 = vector.shape_cast %broadcast_in_dim3A : vector<128x1x64xf32> to vector<128x1x64xf32>
    %broadcast_in_dim3A_23 = vector.broadcast %broadcast_in_dim3A_22 : vector<128x1x64xf32> to vector<128x32x64xf32>
    %reshape3A = vector.shape_cast %broadcast_in_dim3A_23 : vector<128x32x64xf32> to vector<4096x64xf32>
    %get3A_24 = arith.constant 0 : index
    %get3A_25 = arith.constant 0 : index
    %get3A_26 = vector.load %arg1[%get3A_24, %get3A_25] : memref<4096x64xf32, #tpu.memory_space<vmem>>, vector<4096x64xf32>
    %sub3A_27 = arith.subf %get3A_26, %reshape3A : vector<4096x64xf32>
    %mul3A_28 = vector.broadcast %mul3A_16 : vector<1x64xf32> to vector<4096x64xf32>
    %mul3A_29 = arith.mulf %sub3A_27, %mul3A_28 : vector<4096x64xf32>
    %add3A_30 = vector.broadcast %sub3A_18 : vector<1x64xf32> to vector<4096x64xf32>
    %add3A_31 = arith.addf %mul3A_29, %add3A_30 : vector<4096x64xf32>
    %max3A = arith.constant 0.000000e+00 : f32
    %max3A_32 = vector.broadcast %max3A : f32 to vector<4096x64xf32>
    %max3A_33 = arith.maximumf %add3A_31, %max3A_32 : vector<4096x64xf32>
    %get3A_34 = arith.constant 0 : index
    %get3A_35 = arith.constant 0 : index
    %get3A_36 = vector.load %arg6[%get3A_34, %get3A_35] : memref<64x64xf32, #tpu.memory_space<vmem>>, vector<64x64xf32>
    %convert_element_type3A = arith.truncf %max3A_33 : vector<4096x64xf32> to vector<4096x64xbf16>
    %convert_element_type3A_37 = arith.truncf %get3A_36 : vector<64x64xf32> to vector<64x64xbf16>
    %dot_general3A = arith.constant dense<0.000000e+00> : vector<4096x64xf32>
    %dot_general3A_38 = tpu.matmul %convert_element_type3A, %convert_element_type3A_37, %dot_general3A {dimension_numbers = #tpu.dot_dimension_numbers<[1], [1], [0], [0], [0, 0, 1, 0], [], []>, transpose_lhs_hint = false} : vector<4096x64xbf16>, vector<64x64xbf16>, vector<4096x64xf32> -> vector<4096x64xf32>
    %swap3A = arith.constant 0 : index
    %swap3A_39 = arith.constant 0 : index
    %swap3A_40 = vector.load %arg7[%swap3A, %swap3A_39] : memref<4096x64xf32, #tpu.memory_space<vmem>>, vector<4096x64xf32>
    tpu.vector_store %arg7[%swap3A, %swap3A_39], %dot_general3A_38 {strides = array<i32>} : memref<4096x64xf32, #tpu.memory_space<vmem>>, vector<4096x64xf32>,
    %reduce_sum3A = arith.constant dense<0.000000e+00> : vector<64xf32>
    %reduce_sum3A_41 = vector.multi_reduction <add>, %dot_general3A_38, %reduce_sum3A [0] : vector<4096x64xf32> to vector<64xf32>
    %broadcast_in_dim3A_42 = vector.shape_cast %reduce_sum3A_41 : vector<64xf32> to vector<1x64xf32>
    %mul3A_43 = arith.mulf %dot_general3A_38, %dot_general3A_38 : vector<4096x64xf32>
    %reduce_sum3A_44 = arith.constant dense<0.000000e+00> : vector<64xf32>
    %reduce_sum3A_45 = vector.multi_reduction <add>, %mul3A_43, %reduce_sum3A_44 [0] : vector<4096x64xf32> to vector<64xf32>
    %broadcast_in_dim3A_46 = vector.shape_cast %reduce_sum3A_45 : vector<64xf32> to vector<1x64xf32>
    %concatenate3A = tpu.concatenate %broadcast_in_dim3A_42, %broadcast_in_dim3A_46 in 0 : vector<1x64xf32>, vector<1x64xf32> -> vector<2x64xf32>
    %eq3A = arith.constant 0 : i32
    %eq3A_47 = arith.cmpi eq, %arg0, %eq3A : i32
    %convert_element_type3A_48 = arith.extui %eq3A_47 : i1 to i32
    %cond3A = arith.constant 0 : i32
    %cond3A_49 = arith.cmpi ne, %convert_element_type3A_48, %cond3A : i32
    scf.if %cond3A_49 {
      %swap3A_54 = arith.constant 0 : index
      %swap3A_55 = arith.constant 0 : index
      %swap3A_56 = vector.load %arg8[%swap3A_54, %swap3A_55] : memref<2x64xf32, #tpu.memory_space<vmem>>, vector<2x64xf32>
      tpu.vector_store %arg8[%swap3A_54, %swap3A_55], %concatenate3A {strides = array<i32>} : memref<2x64xf32, #tpu.memory_space<vmem>>, vector<2x64xf32>,
    } else {
    }
    %gt3A = arith.constant 0 : i32
    %gt3A_50 = arith.cmpi sgt, %arg0, %gt3A : i32
    %convert_element_type3A_51 = arith.extui %gt3A_50 : i1 to i32
    %cond3A_52 = arith.constant 0 : i32
    %cond3A_53 = arith.cmpi ne, %convert_element_type3A_51, %cond3A_52 : i32
    scf.if %cond3A_53 {
      %get3A_54 = arith.constant 0 : index
      %get3A_55 = arith.constant 0 : index
      %get3A_56 = vector.load %arg8[%get3A_54, %get3A_55] : memref<2x64xf32, #tpu.memory_space<vmem>>, vector<2x64xf32>
      %add3A_57 = arith.addf %get3A_56, %concatenate3A : vector<2x64xf32>
      %swap3A_58 = arith.constant 0 : index
      %swap3A_59 = arith.constant 0 : index
      %swap3A_60 = vector.load %arg8[%swap3A_58, %swap3A_59] : memref<2x64xf32, #tpu.memory_space<vmem>>, vector<2x64xf32>
      tpu.vector_store %arg8[%swap3A_58, %swap3A_59], %add3A_57 {strides = array<i32>} : memref<2x64xf32, #tpu.memory_space<vmem>>, vector<2x64xf32>,
    } else {
    }
    return
  }
  func.func @transform_0(%arg0: i32) -> (i32, i32) {
    %c0_i32 = arith.constant 0 : i32
    %c0_i32_0 = arith.constant 0 : i32
    return %arg0, %c0_i32 : i32, i32
  }
  func.func @transform_1(%arg0: i32) -> (i32, i32) {
    %c0_i32 = arith.constant 0 : i32
    %c0_i32_0 = arith.constant 0 : i32
    return %arg0, %c0_i32 : i32, i32
  }
  func.func @transform_2(%arg0: i32) -> (i32, i32) {
    %c0_i32 = arith.constant 0 : i32
    %c0_i32_0 = arith.constant 0 : i32
    %c0_i32_1 = arith.constant 0 : i32
    return %c0_i32, %c0_i32_0 : i32, i32
  }
  func.func @transform_3(%arg0: i32) -> (i32, i32) {
    %c0_i32 = arith.constant 0 : i32
    %c0_i32_0 = arith.constant 0 : i32
    %c0_i32_1 = arith.constant 0 : i32
    return %c0_i32, %c0_i32_0 : i32, i32
  }
  func.func @transform_4(%arg0: i32) -> (i32, i32) {
    %c0_i32 = arith.constant 0 : i32
    %c0_i32_0 = arith.constant 0 : i32
    %c0_i32_1 = arith.constant 0 : i32
    return %c0_i32, %c0_i32_0 : i32, i32
  }
  func.func @transform_5(%arg0: i32) -> (i32, i32) {
    %c0_i32 = arith.constant 0 : i32
    %c0_i32_0 = arith.constant 0 : i32
    %c0_i32_1 = arith.constant 0 : i32
    return %c0_i32, %c0_i32_0 : i32, i32
  }
  func.func @transform_6(%arg0: i32) -> (i32, i32) {
    %c0_i32 = arith.constant 0 : i32
    %c0_i32_0 = arith.constant 0 : i32
    return %arg0, %c0_i32 : i32, i32
  }
  func.func @transform_7(%arg0: i32) -> (i32, i32) {
    %c0_i32 = arith.constant 0 : i32
    %c0_i32_0 = arith.constant 0 : i32
    %c0_i32_1 = arith.constant 0 : i32
    return %c0_i32, %c0_i32_0 : i32, i32
  }
}

module attributes {stable_mosaic.version = 14 : i64} {
  func.func @_l3_body(%arg0: i32, %arg1: memref<4096x64xf32, #tpu.memory_space<vmem>>, %arg2: memref<2x64xf32, #tpu.memory_space<vmem>>, %arg3: memref<1x64xf32, #tpu.memory_space<vmem>>, %arg4: memref<1x64xf32, #tpu.memory_space<vmem>>, %arg5: memref<128x64xf32, #tpu.memory_space<vmem>>, %arg6: memref<128x128xf32, #tpu.memory_space<vmem>>, %arg7: memref<2x128xf32, #tpu.memory_space<vmem>>) attributes {dimension_semantics = [#tpu.dimension_semantics<arbitrary>], iteration_bounds = array<i64: 64>, scalar_prefetch = 0 : i64, scratch_operands = 0 : i64, tpu.core_type = #tpu.core_type<tc>, window_params = [{transform_indices = @transform_0, window_bounds = array<i64: 4096, 64>}, {pipeline_mode = #tpu.pipeline_mode<synchronous>, transform_indices = @transform_1, window_bounds = array<i64: 2, 64>}, {pipeline_mode = #tpu.pipeline_mode<synchronous>, transform_indices = @transform_2, window_bounds = array<i64: 1, 64>}, {pipeline_mode = #tpu.pipeline_mode<synchronous>, transform_indices = @transform_3, window_bounds = array<i64: 1, 64>}, {pipeline_mode = #tpu.pipeline_mode<synchronous>, transform_indices = @transform_4, window_bounds = array<i64: 128, 64>}, {transform_indices = @transform_5, window_bounds = array<i64: 128, 128>}, {pipeline_mode = #tpu.pipeline_mode<synchronous>, transform_indices = @transform_6, window_bounds = array<i64: 2, 128>}]} {
    %get3A = arith.constant 0 : index
    %get3A_0 = arith.constant 0 : index
    %get3A_1 = vector.load %arg2[%get3A, %get3A_0] : memref<2x64xf32, #tpu.memory_space<vmem>>, vector<2x64xf32>
    %get3A_2 = arith.constant 0 : index
    %get3A_3 = arith.constant 0 : index
    %get3A_4 = vector.load %arg3[%get3A_2, %get3A_3] : memref<1x64xf32, #tpu.memory_space<vmem>>, vector<1x64xf32>
    %get3A_5 = arith.constant 0 : index
    %get3A_6 = arith.constant 0 : index
    %get3A_7 = vector.load %arg4[%get3A_5, %get3A_6] : memref<1x64xf32, #tpu.memory_space<vmem>>, vector<1x64xf32>
    %slice3A = vector.extract_strided_slice %get3A_1 {offsets = [0, 0], sizes = [1, 64], strides = [1, 1]} : vector<2x64xf32> to vector<1x64xf32>
    %div3A = arith.constant 2.621440e+05 : f32
    %div3A_8 = vector.broadcast %div3A : f32 to vector<1x64xf32>
    %div3A_9 = arith.divf %slice3A, %div3A_8 : vector<1x64xf32>
    %slice3A_10 = vector.extract_strided_slice %get3A_1 {offsets = [1, 0], sizes = [1, 64], strides = [1, 1]} : vector<2x64xf32> to vector<1x64xf32>
    %div3A_11 = arith.constant 2.621440e+05 : f32
    %div3A_12 = vector.broadcast %div3A_11 : f32 to vector<1x64xf32>
    %div3A_13 = arith.divf %slice3A_10, %div3A_12 : vector<1x64xf32>
    %mul3A = arith.mulf %div3A_9, %div3A_9 : vector<1x64xf32>
    %sub3A = arith.subf %div3A_13, %mul3A : vector<1x64xf32>
    %add3A = arith.constant 9.99999974E-6 : f32
    %add3A_14 = vector.broadcast %add3A : f32 to vector<1x64xf32>
    %add3A_15 = arith.addf %sub3A, %add3A_14 : vector<1x64xf32>
    %rsqrt3A = math.rsqrt %add3A_15 : vector<1x64xf32>
    %mul3A_16 = arith.mulf %get3A_4, %rsqrt3A : vector<1x64xf32>
    %mul3A_17 = arith.mulf %div3A_9, %mul3A_16 : vector<1x64xf32>
    %sub3A_18 = arith.subf %get3A_7, %mul3A_17 : vector<1x64xf32>
    %get3A_19 = arith.constant 0 : index
    %get3A_20 = arith.constant 0 : index
    %get3A_21 = vector.load %arg1[%get3A_19, %get3A_20] : memref<4096x64xf32, #tpu.memory_space<vmem>>, vector<4096x64xf32>
    %mul3A_22 = vector.broadcast %mul3A_16 : vector<1x64xf32> to vector<4096x64xf32>
    %mul3A_23 = arith.mulf %get3A_21, %mul3A_22 : vector<4096x64xf32>
    %add3A_24 = vector.broadcast %sub3A_18 : vector<1x64xf32> to vector<4096x64xf32>
    %add3A_25 = arith.addf %mul3A_23, %add3A_24 : vector<4096x64xf32>
    %max3A = arith.constant 0.000000e+00 : f32
    %max3A_26 = vector.broadcast %max3A : f32 to vector<4096x64xf32>
    %max3A_27 = arith.maximumf %add3A_25, %max3A_26 : vector<4096x64xf32>
    %get3A_28 = arith.constant 0 : index
    %get3A_29 = arith.constant 0 : index
    %get3A_30 = vector.load %arg5[%get3A_28, %get3A_29] : memref<128x64xf32, #tpu.memory_space<vmem>>, vector<128x64xf32>
    %convert_element_type3A = arith.truncf %max3A_27 : vector<4096x64xf32> to vector<4096x64xbf16>
    %convert_element_type3A_31 = arith.truncf %get3A_30 : vector<128x64xf32> to vector<128x64xbf16>
    %dot_general3A = arith.constant dense<0.000000e+00> : vector<4096x128xf32>
    %dot_general3A_32 = tpu.matmul %convert_element_type3A, %convert_element_type3A_31, %dot_general3A {dimension_numbers = #tpu.dot_dimension_numbers<[1], [1], [0], [0], [0, 0, 1, 0], [], []>, transpose_lhs_hint = false} : vector<4096x64xbf16>, vector<128x64xbf16>, vector<4096x128xf32> -> vector<4096x128xf32>
    %reduce_sum3A = arith.constant dense<0.000000e+00> : vector<128xf32>
    %reduce_sum3A_33 = vector.multi_reduction <add>, %dot_general3A_32, %reduce_sum3A [0] : vector<4096x128xf32> to vector<128xf32>
    %broadcast_in_dim3A = vector.shape_cast %reduce_sum3A_33 : vector<128xf32> to vector<1x128xf32>
    %mul3A_34 = arith.mulf %dot_general3A_32, %dot_general3A_32 : vector<4096x128xf32>
    %reduce_sum3A_35 = arith.constant dense<0.000000e+00> : vector<128xf32>
    %reduce_sum3A_36 = vector.multi_reduction <add>, %mul3A_34, %reduce_sum3A_35 [0] : vector<4096x128xf32> to vector<128xf32>
    %broadcast_in_dim3A_37 = vector.shape_cast %reduce_sum3A_36 : vector<128xf32> to vector<1x128xf32>
    %concatenate3A = tpu.concatenate %broadcast_in_dim3A, %broadcast_in_dim3A_37 in 0 : vector<1x128xf32>, vector<1x128xf32> -> vector<2x128xf32>
    %reshape3A = vector.shape_cast %dot_general3A_32 : vector<4096x128xf32> to vector<128x32x128xf32>
    %reduce_max3A = arith.constant dense<0xFF800000> : vector<128x128xf32>
    %reduce_max3A_38 = vector.multi_reduction <maximumf>, %reshape3A, %reduce_max3A [1] : vector<128x32x128xf32> to vector<128x128xf32>
    %swap3A = arith.constant 0 : index
    %swap3A_39 = arith.constant 0 : index
    %swap3A_40 = vector.load %arg6[%swap3A, %swap3A_39] : memref<128x128xf32, #tpu.memory_space<vmem>>, vector<128x128xf32>
    tpu.vector_store %arg6[%swap3A, %swap3A_39], %reduce_max3A_38 {strides = array<i32>} : memref<128x128xf32, #tpu.memory_space<vmem>>, vector<128x128xf32>,
    %eq3A = arith.constant 0 : i32
    %eq3A_41 = arith.cmpi eq, %arg0, %eq3A : i32
    %convert_element_type3A_42 = arith.extui %eq3A_41 : i1 to i32
    %cond3A = arith.constant 0 : i32
    %cond3A_43 = arith.cmpi ne, %convert_element_type3A_42, %cond3A : i32
    scf.if %cond3A_43 {
      %swap3A_48 = arith.constant 0 : index
      %swap3A_49 = arith.constant 0 : index
      %swap3A_50 = vector.load %arg7[%swap3A_48, %swap3A_49] : memref<2x128xf32, #tpu.memory_space<vmem>>, vector<2x128xf32>
      tpu.vector_store %arg7[%swap3A_48, %swap3A_49], %concatenate3A {strides = array<i32>} : memref<2x128xf32, #tpu.memory_space<vmem>>, vector<2x128xf32>,
    } else {
    }
    %gt3A = arith.constant 0 : i32
    %gt3A_44 = arith.cmpi sgt, %arg0, %gt3A : i32
    %convert_element_type3A_45 = arith.extui %gt3A_44 : i1 to i32
    %cond3A_46 = arith.constant 0 : i32
    %cond3A_47 = arith.cmpi ne, %convert_element_type3A_45, %cond3A_46 : i32
    scf.if %cond3A_47 {
      %get3A_48 = arith.constant 0 : index
      %get3A_49 = arith.constant 0 : index
      %get3A_50 = vector.load %arg7[%get3A_48, %get3A_49] : memref<2x128xf32, #tpu.memory_space<vmem>>, vector<2x128xf32>
      %add3A_51 = arith.addf %get3A_50, %concatenate3A : vector<2x128xf32>
      %swap3A_52 = arith.constant 0 : index
      %swap3A_53 = arith.constant 0 : index
      %swap3A_54 = vector.load %arg7[%swap3A_52, %swap3A_53] : memref<2x128xf32, #tpu.memory_space<vmem>>, vector<2x128xf32>
      tpu.vector_store %arg7[%swap3A_52, %swap3A_53], %add3A_51 {strides = array<i32>} : memref<2x128xf32, #tpu.memory_space<vmem>>, vector<2x128xf32>,
    } else {
    }
    return
  }
  func.func @transform_0(%arg0: i32) -> (i32, i32) {
    %c0_i32 = arith.constant 0 : i32
    %c0_i32_0 = arith.constant 0 : i32
    return %arg0, %c0_i32 : i32, i32
  }
  func.func @transform_1(%arg0: i32) -> (i32, i32) {
    %c0_i32 = arith.constant 0 : i32
    %c0_i32_0 = arith.constant 0 : i32
    %c0_i32_1 = arith.constant 0 : i32
    return %c0_i32, %c0_i32_0 : i32, i32
  }
  func.func @transform_2(%arg0: i32) -> (i32, i32) {
    %c0_i32 = arith.constant 0 : i32
    %c0_i32_0 = arith.constant 0 : i32
    %c0_i32_1 = arith.constant 0 : i32
    return %c0_i32, %c0_i32_0 : i32, i32
  }
  func.func @transform_3(%arg0: i32) -> (i32, i32) {
    %c0_i32 = arith.constant 0 : i32
    %c0_i32_0 = arith.constant 0 : i32
    %c0_i32_1 = arith.constant 0 : i32
    return %c0_i32, %c0_i32_0 : i32, i32
  }
  func.func @transform_4(%arg0: i32) -> (i32, i32) {
    %c0_i32 = arith.constant 0 : i32
    %c0_i32_0 = arith.constant 0 : i32
    %c0_i32_1 = arith.constant 0 : i32
    return %c0_i32, %c0_i32_0 : i32, i32
  }
  func.func @transform_5(%arg0: i32) -> (i32, i32) {
    %c0_i32 = arith.constant 0 : i32
    %c0_i32_0 = arith.constant 0 : i32
    return %arg0, %c0_i32 : i32, i32
  }
  func.func @transform_6(%arg0: i32) -> (i32, i32) {
    %c0_i32 = arith.constant 0 : i32
    %c0_i32_0 = arith.constant 0 : i32
    %c0_i32_1 = arith.constant 0 : i32
    return %c0_i32, %c0_i32_0 : i32, i32
  }
}

module attributes {stable_mosaic.version = 14 : i64} {
  func.func @_final_body(%arg0: i32, %arg1: memref<512x128xf32, #tpu.memory_space<vmem>>, %arg2: memref<2x128xf32, #tpu.memory_space<vmem>>, %arg3: memref<1x128xf32, #tpu.memory_space<vmem>>, %arg4: memref<1x128xf32, #tpu.memory_space<vmem>>, %arg5: memref<1x128x512xf32, #tpu.memory_space<vmem>>) attributes {dimension_semantics = [#tpu.dimension_semantics<arbitrary>], iteration_bounds = array<i64: 16>, scalar_prefetch = 0 : i64, scratch_operands = 0 : i64, tpu.core_type = #tpu.core_type<tc>, window_params = [{transform_indices = @transform_0, window_bounds = array<i64: 512, 128>}, {pipeline_mode = #tpu.pipeline_mode<synchronous>, transform_indices = @transform_1, window_bounds = array<i64: 2, 128>}, {pipeline_mode = #tpu.pipeline_mode<synchronous>, transform_indices = @transform_2, window_bounds = array<i64: 1, 128>}, {pipeline_mode = #tpu.pipeline_mode<synchronous>, transform_indices = @transform_3, window_bounds = array<i64: 1, 128>}, {transform_indices = @transform_4, window_bounds = array<i64: 1, 128, 512>}]} {
    %get3A = arith.constant 0 : index
    %get3A_0 = arith.constant 0 : index
    %get3A_1 = vector.load %arg2[%get3A, %get3A_0] : memref<2x128xf32, #tpu.memory_space<vmem>>, vector<2x128xf32>
    %get3A_2 = arith.constant 0 : index
    %get3A_3 = arith.constant 0 : index
    %get3A_4 = vector.load %arg3[%get3A_2, %get3A_3] : memref<1x128xf32, #tpu.memory_space<vmem>>, vector<1x128xf32>
    %get3A_5 = arith.constant 0 : index
    %get3A_6 = arith.constant 0 : index
    %get3A_7 = vector.load %arg4[%get3A_5, %get3A_6] : memref<1x128xf32, #tpu.memory_space<vmem>>, vector<1x128xf32>
    %slice3A = vector.extract_strided_slice %get3A_1 {offsets = [0, 0], sizes = [1, 128], strides = [1, 1]} : vector<2x128xf32> to vector<1x128xf32>
    %div3A = arith.constant 2.621440e+05 : f32
    %div3A_8 = vector.broadcast %div3A : f32 to vector<1x128xf32>
    %div3A_9 = arith.divf %slice3A, %div3A_8 : vector<1x128xf32>
    %slice3A_10 = vector.extract_strided_slice %get3A_1 {offsets = [1, 0], sizes = [1, 128], strides = [1, 1]} : vector<2x128xf32> to vector<1x128xf32>
    %div3A_11 = arith.constant 2.621440e+05 : f32
    %div3A_12 = vector.broadcast %div3A_11 : f32 to vector<1x128xf32>
    %div3A_13 = arith.divf %slice3A_10, %div3A_12 : vector<1x128xf32>
    %mul3A = arith.mulf %div3A_9, %div3A_9 : vector<1x128xf32>
    %sub3A = arith.subf %div3A_13, %mul3A : vector<1x128xf32>
    %add3A = arith.constant 9.99999974E-6 : f32
    %add3A_14 = vector.broadcast %add3A : f32 to vector<1x128xf32>
    %add3A_15 = arith.addf %sub3A, %add3A_14 : vector<1x128xf32>
    %rsqrt3A = math.rsqrt %add3A_15 : vector<1x128xf32>
    %mul3A_16 = arith.mulf %get3A_4, %rsqrt3A : vector<1x128xf32>
    %mul3A_17 = arith.mulf %div3A_9, %mul3A_16 : vector<1x128xf32>
    %sub3A_18 = arith.subf %get3A_7, %mul3A_17 : vector<1x128xf32>
    %get3A_19 = arith.constant 0 : index
    %get3A_20 = arith.constant 0 : index
    %get3A_21 = vector.load %arg1[%get3A_19, %get3A_20] : memref<512x128xf32, #tpu.memory_space<vmem>>, vector<512x128xf32>
    %mul3A_22 = vector.broadcast %mul3A_16 : vector<1x128xf32> to vector<512x128xf32>
    %mul3A_23 = arith.mulf %get3A_21, %mul3A_22 : vector<512x128xf32>
    %add3A_24 = vector.broadcast %sub3A_18 : vector<1x128xf32> to vector<512x128xf32>
    %add3A_25 = arith.addf %mul3A_23, %add3A_24 : vector<512x128xf32>
    %max3A = arith.constant 0.000000e+00 : f32
    %max3A_26 = vector.broadcast %max3A : f32 to vector<512x128xf32>
    %max3A_27 = arith.maximumf %add3A_25, %max3A_26 : vector<512x128xf32>
    %transpose3A = tpu.transpose %max3A_27, [1, 0] : vector<512x128xf32> -> vector<128x512xf32>
    %swap3A = arith.constant 0 : index
    %swap3A_28 = arith.constant 0 : index
    %swap3A_29 = arith.constant 0 : index
    %swap3A_30 = vector.load %arg5[%swap3A, %swap3A_28, %swap3A_29] : memref<1x128x512xf32, #tpu.memory_space<vmem>>, vector<1x128x512xf32>
    %swap3A_31 = vector.shape_cast %swap3A_30 : vector<1x128x512xf32> to vector<128x512xf32>
    %swap3A_32 = vector.shape_cast %transpose3A : vector<128x512xf32> to vector<1x128x512xf32>
    tpu.vector_store %arg5[%swap3A, %swap3A_28, %swap3A_29], %swap3A_32 {strides = array<i32>} : memref<1x128x512xf32, #tpu.memory_space<vmem>>, vector<1x128x512xf32>,
    return
  }
  func.func @transform_0(%arg0: i32) -> (i32, i32) {
    %c0_i32 = arith.constant 0 : i32
    %c0_i32_0 = arith.constant 0 : i32
    return %arg0, %c0_i32 : i32, i32
  }
  func.func @transform_1(%arg0: i32) -> (i32, i32) {
    %c0_i32 = arith.constant 0 : i32
    %c0_i32_0 = arith.constant 0 : i32
    %c0_i32_1 = arith.constant 0 : i32
    return %c0_i32, %c0_i32_0 : i32, i32
  }
  func.func @transform_2(%arg0: i32) -> (i32, i32) {
    %c0_i32 = arith.constant 0 : i32
    %c0_i32_0 = arith.constant 0 : i32
    %c0_i32_1 = arith.constant 0 : i32
    return %c0_i32, %c0_i32_0 : i32, i32
  }
  func.func @transform_3(%arg0: i32) -> (i32, i32) {
    %c0_i32 = arith.constant 0 : i32
    %c0_i32_0 = arith.constant 0 : i32
    %c0_i32_1 = arith.constant 0 : i32
    return %c0_i32, %c0_i32_0 : i32, i32
  }
  func.func @transform_4(%arg0: i32) -> (i32, i32, i32) {
    %c0_i32 = arith.constant 0 : i32
    %c0_i32_0 = arith.constant 0 : i32
    %c0_i32_1 = arith.constant 0 : i32
    return %arg0, %c0_i32, %c0_i32_0 : i32, i32, i32
  }
}

</mosaic_0001>

<sc_bundles>
// kernel: kernel.10.cloned.1.call-start
scs
__scs_entry_jumppad:
0x0: {  	(pc) =	sbr.rel $0x88, $3  }
0x1: {  	(tag) =	ssettag $0x0;
	lr =	simm.s32 $0x1  }
0x2: {  	[smem:$0x3F95] =	sst lr;
	_ =	strace $0xD0000000  }
0x3: {  	_ = 	snop  }
0x4: {  	_ = 	snop  }
0x5: {  	_ = 	snop  }
0x6: {  	_ = 	snop  }
0x7: {  	_ = 	snop  }
__scs_overlays_trampoline_lowered:
0x8: {  	[smem:$0x3FA4] =	sst s0  }
0x9: {  	[smem:$0x3FA5] =	sst s1  }
0xa: {  	[smem:$0x3FA6] =	sst s2  }
0xb: {  	[smem:$0x3FA7] =	sst s3  }
0xc: {  	[smem:$0x3FA8] =	sst s4  }
0xd: {  	[smem:$0x3FA9] =	sst s5  }
0xe: {  	[smem:$0x3FAA] =	sst s6  }
0xf: {  	[smem:$0x3FAB] =	sst s7  }
0x10: {  	[smem:$0x3FAC] =	sst s8  }
0x11: {  	[smem:$0x3FAD] =	sst s9;
	s0 =	simm.s32 @!p0 $0x0  }
0x12: {  	s1 =	sld [smem:$0x3F93];
	s0 =	simm.s32 @p0 $0x1  }
0x13: {  	[smem:$0x3FAE] =	sst s0;
	s0 =	simm.s32 @!p1 $0x0  }
0x14: {  	s2 =	sld [smem:$0x3F92];
	s0 =	simm.s32 @p1 $0x1  }
0x15: {  	[smem:$0x3FAF] =	sst s0;
	s0 =	simm.s32 @!p2 $0x0  }
0x16: {  	s3 =	sld [smem:$0x3FDB];
	s0 =	simm.s32 @p2 $0x1  }
0x17: {  	s4 =	simm.s32 $0x1BF5;
	[smem:$0x3FB1] =	sst s0  }
0x18: {  	s0 =	sld [smem:$0x3F94];
	_ =	swait.ge [sflag:s4], $0x0  }
0x19: {  	s7 =	sld [smem:$0x3F95]  }
0x1a: {  	s8 =	sadd.s32 $0xFFFFE003, lr  }
0x1b: {  	s9 =	sadd.s32 $0xFFFFFEF7, lr;
	s5 =	simm.s32 $0xFFFFFFFF;
	p2 =	slt.u32 s8, $0xFFFFF086  }
0x1c: {  	p1 =	slt.u32 s9, $0xF7A;
	s5 =	simm.s32 @!p2 $0x0  }
0x1d: {  	s5 =	simm.s32 @p1 $0x1;
	p0 =	seq.s32 s7, s2  }
0x1e: {  	s7 =	smul.u32 @!p0 $0xF7A, s2;
	p2 =	seq.s32 @!p0 s5, $0x0  }
0x1f: {  	s9 =	smul.u32 $0xF7A, s1;
	s8 =	simm.s32 @!p0 $0x1BF5;
	p2 =	por !p2, p0  }
0x20: {  	[sflag:s8] =	ssyncset.s32 @!p0 $0xFFFFF086;
	s6 =	sadd.s32 @!p0 s3, s7;
	s7 =	simm.s32 @!p0 $0x108  }
0x21: {  	s3 =	sadd.s32 s3, s9;
	s6 =	sadd.s32 @!p0 $0x88, s6;
	s7 =	simm.s32 @p2 $0x1082  }
0x22: {  	[simem:s7], [sflag:s8] =	dma.local @!p0 [hbm:s6], $0xF7A  }
0x23: {  	s9 =	sor.u32 $0xD0000000, s2;
	s6 =	simm.s32 $0x108;
	_ =	swait.ge @!p0 [sflag:s8], $0x0  }
0x24: {  	s3 =	sadd.s32 $0x88, s3;
	s6 =	simm.s32 @!p1 $0x1082;
	[sflag:s4] =	ssyncset.s32 $0xFFFFF086  }
0x25: {  	[simem:s6], [sflag:s4] =	dma.local [hbm:s3], $0xF7A  }
0x26: {  	[smem:$0x3F95] =	sst s1;
	(tag) =	ssettag s2;
	_ =	strace s9  }
0x27: {  	s1 =	sld [smem:$0x3FA5]  }
0x28: {  	s2 =	sld [smem:$0x3FA6]  }
0x29: {  	s4 =	sld [smem:$0x3FA8]  }
0x2a: {  	p0 =	seq.s32 s5, $0x0;
	s5 =	sld [smem:$0x3FA9]  }
0x2b: {  	s6 =	sld [smem:$0x3FAA]  }
0x2c: {  	s7 =	sld [smem:$0x3FAB]  }
0x2d: {  	s3 =	simm.s32 $0x108;
	s8 =	sld [smem:$0x3FAC]  }
0x2e: {  	s3 =	simm.s32 @!p0 $0x1082;
	s9 =	sld [smem:$0x3FAD]  }
0x2f: {  	lr =	sadd.s32 s0, s3;
	s0 =	sld [smem:$0x3FA4]  }
0x30: {  	s3 =	sld [smem:$0x3FA7]  }
0x31: {  	[smem:$0x3FB0] =	sst s10  }
0x32: {  	s10 =	sld [smem:$0x3FAE];
	_ =	sdelay $0x3  }
0x33: {  	p0 =	seq.s32 s10, $0x1;
	s10 =	sld [smem:$0x3FB0];
	_ =	sdelay $0x3  }
0x34: {  	[smem:$0x3FB0] =	sst s10  }
0x35: {  	s10 =	sld [smem:$0x3FAF];
	_ =	sdelay $0x3  }
0x36: {  	p1 =	seq.s32 s10, $0x1;
	s10 =	sld [smem:$0x3FB0];
	_ =	sdelay $0x3  }
0x37: {  	[smem:$0x3FB0] =	sst s10  }
0x38: {  	s10 =	sld [smem:$0x3FB1]  }
0x39: {  	_ = 	snop;
	(pc) =	sbr.ind lr, $3  }
0x3a: {  	_ = 	snop  }
0x3b: {  	_ = 	snop  }
0x3c: {  	p2 =	seq.s32 s10, $0x1;
	s10 =	sld [smem:$0x3FB0]  }
0x3d: {  	_ =	shalt  }
0x3e: {  	_ =	shalt  }
0x3f: {  	_ =	shalt  }
0x40: {  	_ =	shalt  }
0x41: {  	_ =	shalt  }
0x42: {  	_ =	shalt  }
0x43: {  	_ =	shalt  }
0x44: {  	_ =	shalt  }
0x45: {  	_ =	shalt  }
0x46: {  	_ =	shalt  }
0x47: {  	_ =	shalt  }
0x48: {  	_ =	shalt  }
0x49: {  	_ =	shalt  }
0x4a: {  	_ =	shalt  }
0x4b: {  	_ =	shalt  }
0x4c: {  	_ =	shalt  }
0x4d: {  	_ =	shalt  }
0x4e: {  	_ =	shalt  }
0x4f: {  	_ =	shalt  }
0x50: {  	_ =	shalt  }
0x51: {  	_ =	shalt  }
0x52: {  	_ =	shalt  }
0x53: {  	_ =	shalt  }
0x54: {  	_ =	shalt  }
0x55: {  	_ =	shalt  }
0x56: {  	_ =	shalt  }
0x57: {  	_ =	shalt  }
0x58: {  	_ =	shalt  }
0x59: {  	_ =	shalt  }
0x5a: {  	_ =	shalt  }
0x5b: {  	_ =	shalt  }
0x5c: {  	_ =	shalt  }
0x5d: {  	_ =	shalt  }
0x5e: {  	_ =	shalt  }
0x5f: {  	_ =	shalt  }
0x60: {  	_ =	shalt  }
0x61: {  	_ =	shalt  }
0x62: {  	_ =	shalt  }
0x63: {  	_ =	shalt  }
0x64: {  	_ =	shalt  }
0x65: {  	_ =	shalt  }
0x66: {  	_ =	shalt  }
0x67: {  	_ =	shalt  }
0x68: {  	_ =	shalt  }
0x69: {  	_ =	shalt  }
0x6a: {  	_ =	shalt  }
0x6b: {  	_ =	shalt  }
0x6c: {  	_ =	shalt  }
0x6d: {  	_ =	shalt  }
0x6e: {  	_ =	shalt  }
0x6f: {  	_ =	shalt  }
0x70: {  	_ =	shalt  }
0x71: {  	_ =	shalt  }
0x72: {  	_ =	shalt  }
0x73: {  	_ =	shalt  }
0x74: {  	_ =	shalt  }
0x75: {  	_ =	shalt  }
0x76: {  	_ =	shalt  }
0x77: {  	_ =	shalt  }
0x78: {  	_ =	shalt  }
0x79: {  	_ =	shalt  }
0x7a: {  	_ =	shalt  }
0x7b: {  	_ =	shalt  }
0x7c: {  	_ =	shalt  }
0x7d: {  	_ =	shalt  }
0x7e: {  	_ =	shalt  }
0x7f: {  	_ =	shalt  }
0x80: {  	_ =	shalt  }
0x81: {  	_ =	shalt  }
0x82: {  	_ =	shalt  }
0x83: {  	_ =	shalt  }
0x84: {  	_ =	shalt  }
0x85: {  	_ =	shalt  }
0x86: {  	_ =	shalt  }
0x87: {  	_ =	shalt  }
.Lfunc_end0:
.L_simem_size_0:
called_computation_lowered:
.L_overlay_start_0:
0x88: {  	s2 =	sld [smem:$0x3FD9]  }
0x89: {  	s3 =	sld [smem:$0x3FFE];
	_ =	sdelay $0x1  }
0x8a: {  	s1 =	srdreg.scid  }
0x8b: {  	s0 =	sand.u32 $0x1, s1  }
0x8c: {  	s14 =	sshll.u32 s0, $0xA;
	s2 =	sadd.s32 s3, s2  }
0x8d: {  	s2 =	sadd.s32 s2, s14  }
0x8e: {  	[smem:$0x3FBC] =	sst s2  }
0x8f: {  	_ = 	snop  }
0x90: {  	s2 =	sld [smem:$0x3FD0];
	_ =	sdelay $0x2  }
0x91: {  	s15 =	simm.s32 $0xA;
	s4 =	simm.s32 $0x10  }
0x92: {  	[smem:s4], [sflag:s15] =	dma.local [hbm:s2], $0x1  }
0x93: {  	_ =	swait.eq [sflag:s15], $0x1  }
0x94: {  	[sflag:s15] =	ssyncset.done $0x0  }
0x95: {  	[sflag:s15] =	ssyncadd.s32 $0xFFFFFFFF  }
0x96: {  	s16 =	sld [smem:$0x11];
	(tm) =	ssettm $0x1  }
0x97: {  	s17 =	sld [smem:$0x3FFB];
	_ =	sdelay $0x3  }
0x98: {  	_ =	strace s17  }
0x99: {  	s3 =	sld [smem:$0x3FFC];
	_ =	sdelay $0x3  }
0x9a: {  	_ =	strace s3  }
0x9b: {  	s3 =	sld [smem:$0x3FFD];
	_ =	sdelay $0x3  }
0x9c: {  	_ =	strace s3  }
0x9d: {  	_ =	strace $0x8FFFFFFF  }
0x9e: {  	s18 =	sld [smem:$0x3FDB];
	_ =	sdelay $0x1  }
0x9f: {  	s19 =	simm.s32 $_scs_section_size  }
0xa0: {  	s5 =	simm.s32 $_size__tile_overlayer_lowered;
	s6 =	simm.s32 $_tile_overlayer_lowered  }
0xa1: {  	s22 =	simm.s32 $0x1BFF;
	s21 =	sshll.u32 s6, $0x1;
	s3 =	sadd.s32 s19, s18  }
0xa2: {  	s7 =	simm.s32 $0x0;
	s20 =	sshll.u32 s5, $0x1;
	s5 =	sadd.s32 s21, s3  }
0xa3: {  	[timem:s7], [sflag:s22] =	dma.local [hbm:s5], s20  }
0xa4: {  	_ =	swait.ge [sflag:s22], s20  }
0xa5: {  	s4 =	ssub.s32 $0x0, s20;
	[sflag:s22] =	ssyncset.done $0x0  }
0xa6: {  	[sflag:s22] =	ssyncadd.s32 s4;
	_ =	sdelay $0x1  }
0xa7: {  	s23 =	simm.s32 $0x1B8B  }
0xa8: {  	_ =	swait.ge [sflag:s23], $0x1  }
0xa9: {  	[sflag:s23] =	ssyncset.done $0x0  }
0xaa: {  	s25 =	simm.s32 $0x1B8E;
	s24 =	sld [smem:$0x3FFE];
	[sflag:s23] =	ssyncadd.s32 $0xFFFFFFFF  }
0xab: {  	s26 =	simm.s32 $execute0_lowered;
	[smem:$0x3FD2] =	sst s25  }
0xac: {  	s5 =	sshll.u32 s26, $0x1;
	_ =	strace $0x80000046;
	[dreg:$0x1] =	wrdreg $0xFFFFFFFF  }
0xad: {  	s28 =	simm.s32 $_size_execute0_lowered;
	s3 =	sadd.s32 s3, s5;
	[dreg:$0x0] =	wrdreg $0x0  }
0xae: {  	s5 =	sshll.u32 s28, $0x1;
	[dreg:$0x2] =	wrdreg s3  }
0xaf: {  	[dreg:$0x3] =	wrdreg s5  }
0xb0: {  	[dreg:$0x4] =	wrdreg $0xC0  }
0xb1: {  	_ =	task [dreg:s7], $0x5FFFF  }
0xb2: {  	[dreg:$0x1] =	wrdreg $0xFFFFFFFF  }
0xb3: {  	[dreg:$0x0] =	wrdreg $0x60  }
0xb4: {  	[dreg:$0x2] =	wrdreg s16  }
0xb5: {  	[dreg:$0x3] =	wrdreg s24  }
0xb6: {  	[dreg:$0x4] =	wrdreg $0x9  }
0xb7: {  	_ =	task.clear_ibuf [dreg:s7], $0x5FFFF;
	_ =	strace $0x90000046  }
0xb8: {  	s29 =	simm.s32 $0x9;
	_ =	strace $0x80000048  }
0xb9: {  	_ =	swait.ge [sflag:s29], $0x1  }
0xba: {  	[sflag:s29] =	ssyncadd.s32 $0xFFFFFFFF  }
0xbb: {  	_ =	strace $0x90000048  }
0xbc: {  	_ =	sfence  }
0xbd: {  	s30 =	sld [smem:$0x0];
	_ =	sdelay $0x2  }
0xbe: {  	s31 =	sshll.u32 s1, $0xD;
	s1 =	sshrl.u32 s1, $0x2  }
0xbf: {  	s3 =	sand.u32 $0x4000, s31;
	s1 =	sadd.s32 s1, s30  }
0xc0: {  	s0 =	sor.u32 s3, s0;
	s1 =	sshll.u32 s1, $0x11  }
0xc1: {  	s0 =	sor.u32 s1, s0  }
0xc2: {  	s0 =	sadd.s32 $0x8F2B, s0  }
0xc3: {  	[sflag:s0] =	ssyncadd.remote.s32 $0x1  }
0xc4: {  	_ =	sfence.sel $0xFFFF  }
0xc5: {  	[dreg:$0x0] =	wrdreg $0xFFFFFFFF;
	(pc) =	sbr.abs _section_cstart, $3  }
0xc6: {  	[dreg:$0x1] =	wrdreg $0xFFFFFFFF  }
0xc7: {  	_ =	task.clear_ibuf [dreg:s7], $0x2FFFF;
	_ =	strace $0x9FFFFFFF  }
0xc8: {  	(tm) =	ssettm $0x7FFFFFFF  }
0xc9: {  	_ =	shalt  }
tec
execute0_lowered:
.L_overlay_start_1:
0x0: {  	(tag) =	ssettag $0x1  }
0x1: {  	s2 =	rddreg [dreg:$0x0]  }
0x2: {  	s4 =	rddreg [dreg:$0x1];
	s3 =	srdreg.scid  }
0x3: {  	s0 =	rddreg [dreg:$0x2];
	s1 =	stileid.u32  }
0x4: {  	s10 =	simm.s32 $0x1;
	s11 =	simm.s32 $0x0;
	s5 =	sand.u32 $0x1, s3  }
0x5: {  	s3 =	simm.s32 $0x0;
	s6 =	sshll.u32 s1, $0xE;
	s8 =	sshll.u32 s1, $0x11  }
0x6: {  	s7 =	sshll.u32 s5, $0xD;
	[smem:$0x7FF] =	sst s3;
	s29 =	ssub.s32 $0x2, s5  }
0x7: {  	s8 =	sadd.s32 s8, s4;
	s30 =	sshll.u32 s5, $0x10;
	s6 =	sor.u32 s7, s6  }
0x8: {  	_ =	strace $0x80000047;
	s9 =	sshrl.u32 s29, $0x1;
	s31 =	sadd.s32 s30, s8  }
0x9: {  	s8 =	simm.s32 $0x80;
	s6 =	sshrl.u32 s6, $0x3;
	s7 =	ssub.s32 s29, s9  }
0xa: {  	s9 =	simm.s32 $0x2000;
	s6 =	sadd.s32 s6, s4;
	s5 =	smax.u32 s7, $0x1  }
0xb: {  	s7 =	simm.s32 $0x2;
	s4 =	sadd.s32 $0x2A00, s6;
	s6 =	sadd.s32 $0xAA00, s31  }
.LBB2_1:
0xc: {  	[tilespmem:s3], [sflag:$0x2] =	stream.linear.gather [hbm4b:s4+s3], $0x2000, $0x38;
	[tilespmem:$0x4000] =	vst v63  }
0xd: {  	_ =	swait.ge [sflag:s7], $0x2000  }
0xe: {  	[sflag:s7] =	ssyncset.done $0x0  }
0xf: {  	s12 =	simm.s32 $0x0;
	[sflag:s7] =	ssyncadd.s32 $0xFFFFE000  }
0x10: {  	[tilespmem:s9], [sflag:$0x1] =	stream.indirect.gather [hbm4b:s2+s8], $0x40, s12, s8, $0xb8;
	[tilespmem:$0x4000] =	vst v63  }
0x11: {  	_ =	swait.ge [sflag:s10], $0x2000  }
0x12: {  	[sflag:s10] =	ssyncset.done $0x0  }
0x13: {  	[sflag:s10] =	ssyncadd.s32 $0xFFFFE000  }
0x14: {  	[hbm4b:s6+s3] =	stream.linear.scatter [tilespmem:s9], [sflag:$0x2], $0x2000, $0x38;
	[tilespmem:$0x4000] =	vst v63  }
0x15: {  	s13 =	simm.s32 $0x200;
	_ =	swait.ge [sflag:s7], $0x2000  }
0x16: {  	s14 =	simm.s32 $0x400;
	s12 =	sadd.s32 $0x400, s6;
	[sflag:s7] =	ssyncset.done $0x0  }
.LBB2_2:
0x17: {  	s15 =	sshra.s32 s13, $0x2  }
0x18: {  	[sflag:s7] =	ssyncadd.s32 $0xFFFFE000;
	s13 =	smov.u32 s14;
	s16 =	sadd.s32 $0x200, s14  }
0x19: {  	[tilespmem:s9], [sflag:$0x1] =	stream.indirect.gather [hbm4b:s2+s8], $0x40, s15, s8, $0xb8;
	[tilespmem:$0x4000] =	vst v63  }
0x1a: {  	p0 =	sne.s32 s14, $0x7E00;
	_ =	swait.ge [sflag:s10], $0x2000  }
.Ltmp0:
0x1b: {  	[sflag:s10] =	ssyncset.done $0x0;
	(pc) =	sbr.rel @p0 .LBB2_2-.Ltmp0, $4  }
0x1c: {  	[sflag:s10] =	ssyncadd.s32 $0xFFFFE000  }
0x1d: {  	[hbm4b:s12+s3] =	stream.linear.scatter [tilespmem:s9], [sflag:$0x2], $0x2000, $0x38;
	[tilespmem:$0x4000] =	vst v63  }
0x1e: {  	_ =	swait.ge [sflag:s7], $0x2000  }
0x1f: {  	s14 =	smov.u32 s16;
	s12 =	sadd.s32 $0x400, s12;
	[sflag:s7] =	ssyncset.done $0x0  }
0x20: {  	s13 =	sshra.s32 s13, $0x2;
	[sflag:s7] =	ssyncadd.s32 $0xFFFFE000  }
0x21: {  	[tilespmem:s9], [sflag:$0x1] =	stream.indirect.gather [hbm4b:s2+s8], $0x40, s13, s8, $0xb8;
	[tilespmem:$0x4000] =	vst v63  }
0x22: {  	s11 =	sadd.s32 $0x1, s11;
	_ =	swait.ge [sflag:s10], $0x2000  }
0x23: {  	p0 =	sne.s32 s11, s5;
	[sflag:s10] =	ssyncset.done $0x0  }
.Ltmp1:
0x24: {  	[sflag:s10] =	ssyncadd.s32 $0xFFFFE000;
	(pc) =	sbr.rel @p0 .LBB2_1-.Ltmp1, $4  }
0x25: {  	[hbm4b:s12+s3] =	stream.linear.scatter [tilespmem:s9], [sflag:$0x2], $0x2000, $0x38;
	[tilespmem:$0x4000] =	vst v63  }
0x26: {  	_ =	swait.ge [sflag:s7], $0x2000  }
0x27: {  	[sflag:s7] =	ssyncset.done $0x0  }
0x28: {  	[sflag:s7] =	ssyncadd.s32 $0xFFFFE000  }
0x29: {  	_ =	sfence.sel $0x180000  }
0x2a: {  	[bflag:$0x0] =	sbarrier.arrive $0xFFFF  }
0x2b: {  	p0 =	sne.s32 s1, $0x0;
	_ =	strace $0x90000047  }
0x2c: {  	s0 =	sadd.s32 @!p0 $0x100000, s0;
	[bflag:$0x2] =	sbarrier.arrive $0xFFFF  }
0x2d: {  	[sflag:s0] =	ssyncadd.tile.s32 @!p0 $0x1;
	_ =	shalt  }
.Lfunc_end2:
_tile_overlayer_lowered:
.L_overlay_start_2:
0x2e: {  	(tag) =	ssettag $0x2  }
0x2f: {  	s0 =	rddreg [dreg:$0x0];
	s2 =	stileid.u32  }
0x30: {  	s1 =	rddreg [dreg:$0x1];
	p0 =	sne.s32 s2, $0x0  }
0x31: {  	s3 =	rddreg [dreg:$0x2];
	[bflag:$0x3] =	sbarrier.arrive $0xFFFF;
	s2 =	simm.s32 @!p0 $0x1C02  }
0x32: {  	[timem:s3], [sflag:s2] =	dma.local @!p0 [hbm:s0], s1  }
0x33: {  	s0 =	simm.s32 @!p0 $0x2  }
0x34: {  	_ =	swait.ge @!p0 [sflag:s0], s1  }
0x35: {  	s1 =	ssub.s32 @!p0 $0x0, s1;
	[sflag:s0] =	ssyncset.done @!p0 $0x0  }
0x36: {  	[sflag:s0] =	ssyncadd.s32 @!p0 s1  }
0x37: {  	[bflag:$0x3] =	sbarrier.arrive $0xFFFF  }
0x38: {  	_ =	shalt  }

</sc_bundles>
